<compile_context>
chip_gen: v7x
topology: tpu7x:2x2x1
jax: 0.10.2.dev20260603
libtpu: 0.0.44.dev20260713+nightly
codegen_flags: <defaults>
</compile_context>

<pallas_src>
import jax
import jax.numpy as jnp
from jax import lax
from jax.experimental import pallas as pl
from jax.experimental.pallas import tpu as pltpu
from jax.experimental.pallas import tpu_sc as plsc

WINDOW_RADIUS = 32768
UNIT_SAMPLE_COUNT = 512.0

NC = 2
NS = 16
L = 16
NW = NC * NS

TAB_PAD = 32776


def _build(shape2d, rows, nbuf, unroll, interpret=False):
    nrow, ncol = shape2d
    rpt = nrow // NW
    nchunk = rpt // rows
    assert rpt * NW == nrow and nchunk * rows == rpt and nchunk % nbuf == 0

    def body(x_hbm, tab_hbm, out_hbm, tab_v, *rest):
        ins = rest[0:nbuf]
        outs = rest[nbuf:2 * nbuf]
        isems = rest[2 * nbuf:3 * nbuf]
        osems = rest[3 * nbuf:4 * nbuf]

        wid = lax.axis_index("s") * NC + lax.axis_index("c")
        base = wid * rpt

        pltpu.sync_copy(tab_hbm, tab_v)
        for b in range(nbuf):
            pltpu.async_copy(
                x_hbm.at[pl.ds(base + b * rows, rows), :], ins[b], isems[b])

        @pl.loop(0, nchunk, step=nbuf)
        def _chunks(g):
            for b in range(nbuf):
                c = g + b
                pltpu.make_async_copy(
                    x_hbm.at[pl.ds(base + c * rows, rows), :], ins[b],
                    isems[b]).wait()

                @pl.when(c >= nbuf)
                def _():
                    pltpu.make_async_copy(
                        outs[b],
                        out_hbm.at[pl.ds(base + (c - nbuf) * rows, rows), :],
                        osems[b]).wait()

                for r in range(rows):
                    @plsc.parallel_loop(0, ncol, step=L, unroll=unroll)
                    def _vec(i):
                        x = ins[b][r, pl.ds(i, L)]
                        a = jnp.minimum(jnp.abs(x) * UNIT_SAMPLE_COUNT,
                                        float(WINDOW_RADIUS + 1))
                        ii = a.astype(jnp.int32)
                        fr = a - ii.astype(jnp.float32)
                        vl = plsc.load_gather(tab_v, [ii])
                        vr = plsc.load_gather(tab_v, [ii + 1])
                        outs[b][r, pl.ds(i, L)] = vl + fr * (vr - vl)

                pltpu.async_copy(
                    outs[b], out_hbm.at[pl.ds(base + c * rows, rows), :],
                    osems[b])

                @pl.when(c + nbuf < nchunk)
                def _():
                    pltpu.async_copy(
                        x_hbm.at[pl.ds(base + (c + nbuf) * rows, rows), :],
                        ins[b], isems[b])

        for b in range(nbuf):
            c = nchunk - nbuf + b
            pltpu.make_async_copy(
                outs[b], out_hbm.at[pl.ds(base + c * rows, rows), :],
                osems[b]).wait()

    mesh = plsc.VectorSubcoreMesh(
        core_axis_name="c", subcore_axis_name="s",
        num_cores=NC, num_subcores=NS)
    scratch = (
        [pltpu.VMEM((TAB_PAD,), jnp.float32)]
        + [pltpu.VMEM((rows, ncol), jnp.float32) for _ in range(2 * nbuf)]
        + [pltpu.SemaphoreType.DMA for _ in range(2 * nbuf)]
    )
    return pl.kernel(
        body,
        out_type=jax.ShapeDtypeStruct(shape2d, jnp.float32),
        mesh=mesh,
        scratch_types=scratch,
        compiler_params=pltpu.CompilerParams(needs_layout_passes=False),
        interpret=interpret,
    )


def kernel(inputs, outWindow):
    tab = jnp.pad(outWindow.astype(jnp.float32),
                  (0, TAB_PAD - outWindow.shape[0]))
    run = _build(inputs.shape, rows=1, nbuf=2, unroll=8)
    return run(inputs.astype(jnp.float32), tab)

# --- scband reference (transcript-rebuilt; emitter-appended) ---
"""Pipeline reference for scband-kaiser-35785667510963 (READ-ONLY COPY).

The authoritative reference and input builder live on the scoring server;
editing this copy changes nothing except your own understanding.
"""

import jax, jax.numpy as jnp
import numpy as np

WINDOW_RADIUS = 32768
ZERO_CROSSINGS = 64
ROLLOFF = 0.9475937167399596
KAISER_BETA = 14.769656459379492
UNIT_SAMPLE_COUNT = float(WINDOW_RADIUS) / float(ZERO_CROSSINGS)


def _build_out_window():
    kaiser_window = np.kaiser(WINDOW_RADIUS * 2 + 1, KAISER_BETA)[WINDOW_RADIUS:]
    out_window = kaiser_window * np.sinc(np.linspace(0, ZERO_CROSSINGS * ROLLOFF, num=WINDOW_RADIUS + 1)) * ROLLOFF
    out_window[-1] = 0
    return jnp.asarray(out_window, dtype=jnp.float32)


def setup_inputs(seed: int = 0) -> dict:
    key = jax.random.key(seed)
    inputs = jax.random.normal(key, (4096, 8192), dtype=jnp.float32)
    out_window = _build_out_window()
    return {"inputs": inputs, "outWindow": out_window}


def reference(inputs, outWindow):
    input_shape = inputs.shape
    x = jnp.reshape(inputs.astype(jnp.float32), (-1,))
    x_indices_f = jnp.abs(x * UNIT_SAMPLE_COUNT)
    x_indices = x_indices_f.astype(jnp.int32)
    x_lerp_amount = x_indices_f - x_indices.astype(jnp.float32)
    idx_l = jnp.minimum(x_indices, WINDOW_RADIUS)
    idx_r = jnp.minimum(x_indices + 1, WINDOW_RADIUS)
    x_l_values = jnp.take(outWindow, idx_l, axis=0)
    x_r_values = jnp.take(outWindow, idx_r, axis=0)
    y = x_l_values + x_lerp_amount * (x_r_values - x_l_values)
    return jnp.reshape(y, input_shape)

if __name__ == "__main__":
    import jax
    _d = setup_inputs()
    print(jax.jit(kernel)(*tuple(_d.values())))

</pallas_src>

<mosaic_0001>
#map = affine_map<(d0, d1) -> (0, 0)>
#map1 = affine_map<(d0, d1) -> (0)>
module attributes {stable_mosaic.version = 14 : i64} {
  func.func @body(%arg0: i32, %arg1: i32, %arg2: memref<4096x8192xf32, #tpu.memory_space<hbm>>, %arg3: memref<32776xf32, #tpu.memory_space<hbm>>, %arg4: memref<4096x8192xf32, #tpu.memory_space<hbm>>, %arg5: memref<32776xf32, #tpu.memory_space<vmem>>, %arg6: memref<1x8192xf32, #tpu.memory_space<vmem>>, %arg7: memref<1x8192xf32, #tpu.memory_space<vmem>>, %arg8: memref<1x8192xf32, #tpu.memory_space<vmem>>, %arg9: memref<1x8192xf32, #tpu.memory_space<vmem>>, %arg10: memref<!tpu.dma_semaphore, #tpu.memory_space<semaphore_mem>>, %arg11: memref<!tpu.dma_semaphore, #tpu.memory_space<semaphore_mem>>, %arg12: memref<!tpu.dma_semaphore, #tpu.memory_space<semaphore_mem>>, %arg13: memref<!tpu.dma_semaphore, #tpu.memory_space<semaphore_mem>>) attributes {dimension_semantics = [#tpu.dimension_semantics<core_parallel>, #tpu.dimension_semantics<subcore_parallel>], iteration_bounds = array<i64: 2, 16>, scalar_prefetch = 0 : i64, scratch_operands = 9 : i64, tpu.core_type = #tpu.core_type<sc_vector_subcore>, window_params = [{transform_indices = #map}, {transform_indices = #map1}, {transform_indices = #map}]} {
    %mul3A = arith.constant 2 : i32
    %mul3A_0 = arith.muli %arg1, %mul3A : i32
    %add3A = arith.addi %mul3A_0, %arg0 : i32
    %mul3A_1 = arith.constant 128 : i32
    %mul3A_2 = arith.muli %add3A, %mul3A_1 : i32
    "tpu.region"() ({
      %run_scoped3A = tpu.sem_alloc : memref<!tpu.dma_semaphore, #tpu.memory_space<semaphore_mem>>
      tpu.enqueue_dma source(%arg3 : memref<32776xf32, #tpu.memory_space<hbm>>) target(%arg5 : memref<32776xf32, #tpu.memory_space<vmem>>) target_semaphore(%run_scoped3A : memref<!tpu.dma_semaphore, #tpu.memory_space<semaphore_mem>>)
      tpu.wait_dma2 semaphore(%run_scoped3A : memref<!tpu.dma_semaphore, #tpu.memory_space<semaphore_mem>>) src(%arg3 : memref<32776xf32, #tpu.memory_space<hbm>>) dst(%arg5 : memref<32776xf32, #tpu.memory_space<vmem>>)
      tpu.yield
    }) : () -> ()
    %add3A_3 = arith.constant 0 : i32
    %add3A_4 = arith.addi %mul3A_2, %add3A_3 : i32
    %dma_start3A = arith.constant 0 : i32
    %dma_start3A_5 = tpu.memref_slice %arg2[%add3A_4, %dma_start3A] : memref<4096x8192xf32, #tpu.memory_space<hbm>> -> memref<1x8192xf32, #tpu.memory_space<hbm>>
    %dma_start3A_6 = arith.constant 0 : i32
    %dma_start3A_7 = tpu.memref_slice %arg2[%add3A_4, %dma_start3A_6] : memref<4096x8192xf32, #tpu.memory_space<hbm>> -> memref<1x8192xf32, #tpu.memory_space<hbm>>
    tpu.enqueue_dma source(%dma_start3A_7 : memref<1x8192xf32, #tpu.memory_space<hbm>>) target(%arg6 : memref<1x8192xf32, #tpu.memory_space<vmem>>) target_semaphore(%arg10 : memref<!tpu.dma_semaphore, #tpu.memory_space<semaphore_mem>>)
    %add3A_8 = arith.constant 1 : i32
    %add3A_9 = arith.addi %mul3A_2, %add3A_8 : i32
    %dma_start3A_10 = arith.constant 0 : i32
    %dma_start3A_11 = tpu.memref_slice %arg2[%add3A_9, %dma_start3A_10] : memref<4096x8192xf32, #tpu.memory_space<hbm>> -> memref<1x8192xf32, #tpu.memory_space<hbm>>
    %dma_start3A_12 = arith.constant 0 : i32
    %dma_start3A_13 = tpu.memref_slice %arg2[%add3A_9, %dma_start3A_12] : memref<4096x8192xf32, #tpu.memory_space<hbm>> -> memref<1x8192xf32, #tpu.memory_space<hbm>>
    tpu.enqueue_dma source(%dma_start3A_13 : memref<1x8192xf32, #tpu.memory_space<hbm>>) target(%arg7 : memref<1x8192xf32, #tpu.memory_space<vmem>>) target_semaphore(%arg11 : memref<!tpu.dma_semaphore, #tpu.memory_space<semaphore_mem>>)
    %scan3A = arith.constant 0 : i32
    %scan3A_14 = arith.constant 64 : i32
    %scan3A_15 = arith.addi %scan3A, %scan3A_14 : i32
    %scan3A_16 = arith.constant 1 : i32
    scf.for %scan3A_29 = %scan3A to %scan3A_15 step %scan3A_16  : i32 {
      %mul3A_30 = arith.constant 2 : i32
      %mul3A_31 = arith.muli %scan3A_29, %mul3A_30 : i32
      %add3A_32 = arith.constant 0 : i32
      %add3A_33 = arith.addi %add3A_32, %mul3A_31 : i32
      %add3A_34 = arith.constant 0 : i32
      %add3A_35 = arith.addi %add3A_33, %add3A_34 : i32
      %mul3A_36 = arith.constant 1 : i32
      %mul3A_37 = arith.muli %add3A_35, %mul3A_36 : i32
      %add3A_38 = arith.addi %mul3A_2, %mul3A_37 : i32
      %dma_wait3A_39 = arith.constant 0 : i32
      %dma_wait3A_40 = tpu.memref_slice %arg2[%add3A_38, %dma_wait3A_39] : memref<4096x8192xf32, #tpu.memory_space<hbm>> -> memref<1x8192xf32, #tpu.memory_space<hbm>>
      %dma_wait3A_41 = arith.constant 0 : i32
      %dma_wait3A_42 = tpu.memref_slice %arg2[%add3A_38, %dma_wait3A_41] : memref<4096x8192xf32, #tpu.memory_space<hbm>> -> memref<1x8192xf32, #tpu.memory_space<hbm>>
      tpu.wait_dma2 semaphore(%arg10 : memref<!tpu.dma_semaphore, #tpu.memory_space<semaphore_mem>>) src(%dma_wait3A_42 : memref<1x8192xf32, #tpu.memory_space<hbm>>) dst(%arg6 : memref<1x8192xf32, #tpu.memory_space<vmem>>)
      %ge3A = arith.constant 2 : i32
      %ge3A_43 = arith.cmpi sge, %add3A_35, %ge3A : i32
      %convert_element_type3A = arith.extui %ge3A_43 : i1 to i32
      %cond3A = arith.constant 0 : i32
      %cond3A_44 = arith.cmpi ne, %convert_element_type3A, %cond3A : i32
      scf.if %cond3A_44 {
        %sub3A = arith.constant 2 : i32
        %sub3A_91 = arith.subi %add3A_35, %sub3A : i32
        %mul3A_92 = arith.constant 1 : i32
        %mul3A_93 = arith.muli %sub3A_91, %mul3A_92 : i32
        %add3A_94 = arith.addi %mul3A_2, %mul3A_93 : i32
        %dma_wait3A_95 = arith.constant 0 : i32
        %dma_wait3A_96 = tpu.memref_slice %arg4[%add3A_94, %dma_wait3A_95] : memref<4096x8192xf32, #tpu.memory_space<hbm>> -> memref<1x8192xf32, #tpu.memory_space<hbm>>
        %dma_wait3A_97 = arith.constant 0 : i32
        %dma_wait3A_98 = tpu.memref_slice %arg4[%add3A_94, %dma_wait3A_97] : memref<4096x8192xf32, #tpu.memory_space<hbm>> -> memref<1x8192xf32, #tpu.memory_space<hbm>>
        tpu.wait_dma2 semaphore(%arg12 : memref<!tpu.dma_semaphore, #tpu.memory_space<semaphore_mem>>) src(%arg8 : memref<1x8192xf32, #tpu.memory_space<vmem>>) dst(%dma_wait3A_98 : memref<1x8192xf32, #tpu.memory_space<hbm>>)
      } else {
      }
      %parallel_loop3A = arith.constant 0 : i32
      %parallel_loop3A_45 = arith.constant 8192 : i32
      %parallel_loop3A_46 = arith.constant 16 : i32
      scf.for %parallel_loop3A_91 = %parallel_loop3A to %parallel_loop3A_45 step %parallel_loop3A_46  : i32 {
        %parallel_loop3A_92 = arith.constant 0 : i32
        %parallel_loop3A_93 = arith.index_cast %parallel_loop3A_92 : i32 to index
        %parallel_loop3A_94 = arith.index_cast %parallel_loop3A_91 : i32 to index
        %parallel_loop3A_95 = tpu.vector_load %arg6[%parallel_loop3A_93, %parallel_loop3A_94] {strides = array<i32>} : memref<1x8192xf32, #tpu.memory_space<vmem>>, vector<16xf32>,
        %parallel_loop3A_96 = math.absf %parallel_loop3A_95 : vector<16xf32>
        %parallel_loop3A_97 = arith.constant 5.120000e+02 : f32
        %parallel_loop3A_98 = vector.broadcast %parallel_loop3A_97 : f32 to vector<16xf32>
        %parallel_loop3A_99 = arith.mulf %parallel_loop3A_96, %parallel_loop3A_98 : vector<16xf32>
        %parallel_loop3A_100 = arith.constant 3.276900e+04 : f32
        %parallel_loop3A_101 = vector.broadcast %parallel_loop3A_100 : f32 to vector<16xf32>
        %parallel_loop3A_102 = arith.minimumf %parallel_loop3A_99, %parallel_loop3A_101 : vector<16xf32>
        %parallel_loop3A_103 = arith.fptosi %parallel_loop3A_102 : vector<16xf32> to vector<16xi32>
        %parallel_loop3A_104 = arith.sitofp %parallel_loop3A_103 : vector<16xi32> to vector<16xf32>
        %parallel_loop3A_105 = arith.subf %parallel_loop3A_102, %parallel_loop3A_104 : vector<16xf32>
        %parallel_loop3A_106 = tpu.vector_load_idx %arg5[%parallel_loop3A_103] : memref<32776xf32, #tpu.memory_space<vmem>>[vector<16xi32>], vector<16xf32>,
        %parallel_loop3A_107 = arith.constant 1 : i32
        %parallel_loop3A_108 = vector.broadcast %parallel_loop3A_107 : i32 to vector<16xi32>
        %parallel_loop3A_109 = arith.addi %parallel_loop3A_103, %parallel_loop3A_108 : vector<16xi32>
        %parallel_loop3A_110 = tpu.vector_load_idx %arg5[%parallel_loop3A_109] : memref<32776xf32, #tpu.memory_space<vmem>>[vector<16xi32>], vector<16xf32>,
        %parallel_loop3A_111 = arith.subf %parallel_loop3A_110, %parallel_loop3A_106 : vector<16xf32>
        %parallel_loop3A_112 = arith.mulf %parallel_loop3A_105, %parallel_loop3A_111 : vector<16xf32>
        %parallel_loop3A_113 = arith.addf %parallel_loop3A_106, %parallel_loop3A_112 : vector<16xf32>
        %parallel_loop3A_114 = arith.constant 0 : i32
        %parallel_loop3A_115 = arith.index_cast %parallel_loop3A_114 : i32 to index
        %parallel_loop3A_116 = arith.index_cast %parallel_loop3A_91 : i32 to index
        %parallel_loop3A_117 = tpu.vector_load %arg8[%parallel_loop3A_115, %parallel_loop3A_116] {strides = array<i32>} : memref<1x8192xf32, #tpu.memory_space<vmem>>, vector<16xf32>,
        tpu.vector_store %arg8[%parallel_loop3A_115, %parallel_loop3A_116], %parallel_loop3A_113 {strides = array<i32>} : memref<1x8192xf32, #tpu.memory_space<vmem>>, vector<16xf32>,
      } {sc.loop_unroll_factor = 8 : i64, sc.parallel_access}
      %mul3A_47 = arith.constant 1 : i32
      %mul3A_48 = arith.muli %add3A_35, %mul3A_47 : i32
      %add3A_49 = arith.addi %mul3A_2, %mul3A_48 : i32
      %dma_start3A_50 = arith.constant 0 : i32
      %dma_start3A_51 = tpu.memref_slice %arg4[%add3A_49, %dma_start3A_50] : memref<4096x8192xf32, #tpu.memory_space<hbm>> -> memref<1x8192xf32, #tpu.memory_space<hbm>>
      %dma_start3A_52 = arith.constant 0 : i32
      %dma_start3A_53 = tpu.memref_slice %arg4[%add3A_49, %dma_start3A_52] : memref<4096x8192xf32, #tpu.memory_space<hbm>> -> memref<1x8192xf32, #tpu.memory_space<hbm>>
      tpu.enqueue_dma source(%arg8 : memref<1x8192xf32, #tpu.memory_space<vmem>>) target(%dma_start3A_53 : memref<1x8192xf32, #tpu.memory_space<hbm>>) target_semaphore(%arg12 : memref<!tpu.dma_semaphore, #tpu.memory_space<semaphore_mem>>)
      %add3A_54 = arith.constant 2 : i32
      %add3A_55 = arith.addi %add3A_35, %add3A_54 : i32
      %lt3A = arith.constant 128 : i32
      %lt3A_56 = arith.cmpi slt, %add3A_55, %lt3A : i32
      %convert_element_type3A_57 = arith.extui %lt3A_56 : i1 to i32
      %cond3A_58 = arith.constant 0 : i32
      %cond3A_59 = arith.cmpi ne, %convert_element_type3A_57, %cond3A_58 : i32
      scf.if %cond3A_59 {
        %add3A_91 = arith.constant 2 : i32
        %add3A_92 = arith.addi %add3A_35, %add3A_91 : i32
        %mul3A_93 = arith.constant 1 : i32
        %mul3A_94 = arith.muli %add3A_92, %mul3A_93 : i32
        %add3A_95 = arith.addi %mul3A_2, %mul3A_94 : i32
        %dma_start3A_96 = arith.constant 0 : i32
        %dma_start3A_97 = tpu.memref_slice %arg2[%add3A_95, %dma_start3A_96] : memref<4096x8192xf32, #tpu.memory_space<hbm>> -> memref<1x8192xf32, #tpu.memory_space<hbm>>
        %dma_start3A_98 = arith.constant 0 : i32
        %dma_start3A_99 = tpu.memref_slice %arg2[%add3A_95, %dma_start3A_98] : memref<4096x8192xf32, #tpu.memory_space<hbm>> -> memref<1x8192xf32, #tpu.memory_space<hbm>>
        tpu.enqueue_dma source(%dma_start3A_99 : memref<1x8192xf32, #tpu.memory_space<hbm>>) target(%arg6 : memref<1x8192xf32, #tpu.memory_space<vmem>>) target_semaphore(%arg10 : memref<!tpu.dma_semaphore, #tpu.memory_space<semaphore_mem>>)
      } else {
      }
      %add3A_60 = arith.constant 1 : i32
      %add3A_61 = arith.addi %add3A_33, %add3A_60 : i32
      %mul3A_62 = arith.constant 1 : i32
      %mul3A_63 = arith.muli %add3A_61, %mul3A_62 : i32
      %add3A_64 = arith.addi %mul3A_2, %mul3A_63 : i32
      %dma_wait3A_65 = arith.constant 0 : i32
      %dma_wait3A_66 = tpu.memref_slice %arg2[%add3A_64, %dma_wait3A_65] : memref<4096x8192xf32, #tpu.memory_space<hbm>> -> memref<1x8192xf32, #tpu.memory_space<hbm>>
      %dma_wait3A_67 = arith.constant 0 : i32
      %dma_wait3A_68 = tpu.memref_slice %arg2[%add3A_64, %dma_wait3A_67] : memref<4096x8192xf32, #tpu.memory_space<hbm>> -> memref<1x8192xf32, #tpu.memory_space<hbm>>
      tpu.wait_dma2 semaphore(%arg11 : memref<!tpu.dma_semaphore, #tpu.memory_space<semaphore_mem>>) src(%dma_wait3A_68 : memref<1x8192xf32, #tpu.memory_space<hbm>>) dst(%arg7 : memref<1x8192xf32, #tpu.memory_space<vmem>>)
      %ge3A_69 = arith.constant 2 : i32
      %ge3A_70 = arith.cmpi sge, %add3A_61, %ge3A_69 : i32
      %convert_element_type3A_71 = arith.extui %ge3A_70 : i1 to i32
      %cond3A_72 = arith.constant 0 : i32
      %cond3A_73 = arith.cmpi ne, %convert_element_type3A_71, %cond3A_72 : i32
      scf.if %cond3A_73 {
        %sub3A = arith.constant 2 : i32
        %sub3A_91 = arith.subi %add3A_61, %sub3A : i32
        %mul3A_92 = arith.constant 1 : i32
        %mul3A_93 = arith.muli %sub3A_91, %mul3A_92 : i32
        %add3A_94 = arith.addi %mul3A_2, %mul3A_93 : i32
        %dma_wait3A_95 = arith.constant 0 : i32
        %dma_wait3A_96 = tpu.memref_slice %arg4[%add3A_94, %dma_wait3A_95] : memref<4096x8192xf32, #tpu.memory_space<hbm>> -> memref<1x8192xf32, #tpu.memory_space<hbm>>
        %dma_wait3A_97 = arith.constant 0 : i32
        %dma_wait3A_98 = tpu.memref_slice %arg4[%add3A_94, %dma_wait3A_97] : memref<4096x8192xf32, #tpu.memory_space<hbm>> -> memref<1x8192xf32, #tpu.memory_space<hbm>>
        tpu.wait_dma2 semaphore(%arg13 : memref<!tpu.dma_semaphore, #tpu.memory_space<semaphore_mem>>) src(%arg9 : memref<1x8192xf32, #tpu.memory_space<vmem>>) dst(%dma_wait3A_98 : memref<1x8192xf32, #tpu.memory_space<hbm>>)
      } else {
      }
      %parallel_loop3A_74 = arith.constant 0 : i32
      %parallel_loop3A_75 = arith.constant 8192 : i32
      %parallel_loop3A_76 = arith.constant 16 : i32
      scf.for %parallel_loop3A_91 = %parallel_loop3A_74 to %parallel_loop3A_75 step %parallel_loop3A_76  : i32 {
        %parallel_loop3A_92 = arith.constant 0 : i32
        %parallel_loop3A_93 = arith.index_cast %parallel_loop3A_92 : i32 to index
        %parallel_loop3A_94 = arith.index_cast %parallel_loop3A_91 : i32 to index
        %parallel_loop3A_95 = tpu.vector_load %arg7[%parallel_loop3A_93, %parallel_loop3A_94] {strides = array<i32>} : memref<1x8192xf32, #tpu.memory_space<vmem>>, vector<16xf32>,
        %parallel_loop3A_96 = math.absf %parallel_loop3A_95 : vector<16xf32>
        %parallel_loop3A_97 = arith.constant 5.120000e+02 : f32
        %parallel_loop3A_98 = vector.broadcast %parallel_loop3A_97 : f32 to vector<16xf32>
        %parallel_loop3A_99 = arith.mulf %parallel_loop3A_96, %parallel_loop3A_98 : vector<16xf32>
        %parallel_loop3A_100 = arith.constant 3.276900e+04 : f32
        %parallel_loop3A_101 = vector.broadcast %parallel_loop3A_100 : f32 to vector<16xf32>
        %parallel_loop3A_102 = arith.minimumf %parallel_loop3A_99, %parallel_loop3A_101 : vector<16xf32>
        %parallel_loop3A_103 = arith.fptosi %parallel_loop3A_102 : vector<16xf32> to vector<16xi32>
        %parallel_loop3A_104 = arith.sitofp %parallel_loop3A_103 : vector<16xi32> to vector<16xf32>
        %parallel_loop3A_105 = arith.subf %parallel_loop3A_102, %parallel_loop3A_104 : vector<16xf32>
        %parallel_loop3A_106 = tpu.vector_load_idx %arg5[%parallel_loop3A_103] : memref<32776xf32, #tpu.memory_space<vmem>>[vector<16xi32>], vector<16xf32>,
        %parallel_loop3A_107 = arith.constant 1 : i32
        %parallel_loop3A_108 = vector.broadcast %parallel_loop3A_107 : i32 to vector<16xi32>
        %parallel_loop3A_109 = arith.addi %parallel_loop3A_103, %parallel_loop3A_108 : vector<16xi32>
        %parallel_loop3A_110 = tpu.vector_load_idx %arg5[%parallel_loop3A_109] : memref<32776xf32, #tpu.memory_space<vmem>>[vector<16xi32>], vector<16xf32>,
        %parallel_loop3A_111 = arith.subf %parallel_loop3A_110, %parallel_loop3A_106 : vector<16xf32>
        %parallel_loop3A_112 = arith.mulf %parallel_loop3A_105, %parallel_loop3A_111 : vector<16xf32>
        %parallel_loop3A_113 = arith.addf %parallel_loop3A_106, %parallel_loop3A_112 : vector<16xf32>
        %parallel_loop3A_114 = arith.constant 0 : i32
        %parallel_loop3A_115 = arith.index_cast %parallel_loop3A_114 : i32 to index
        %parallel_loop3A_116 = arith.index_cast %parallel_loop3A_91 : i32 to index
        %parallel_loop3A_117 = tpu.vector_load %arg9[%parallel_loop3A_115, %parallel_loop3A_116] {strides = array<i32>} : memref<1x8192xf32, #tpu.memory_space<vmem>>, vector<16xf32>,
        tpu.vector_store %arg9[%parallel_loop3A_115, %parallel_loop3A_116], %parallel_loop3A_113 {strides = array<i32>} : memref<1x8192xf32, #tpu.memory_space<vmem>>, vector<16xf32>,
      } {sc.loop_unroll_factor = 8 : i64, sc.parallel_access}
      %mul3A_77 = arith.constant 1 : i32
      %mul3A_78 = arith.muli %add3A_61, %mul3A_77 : i32
      %add3A_79 = arith.addi %mul3A_2, %mul3A_78 : i32
      %dma_start3A_80 = arith.constant 0 : i32
      %dma_start3A_81 = tpu.memref_slice %arg4[%add3A_79, %dma_start3A_80] : memref<4096x8192xf32, #tpu.memory_space<hbm>> -> memref<1x8192xf32, #tpu.memory_space<hbm>>
      %dma_start3A_82 = arith.constant 0 : i32
      %dma_start3A_83 = tpu.memref_slice %arg4[%add3A_79, %dma_start3A_82] : memref<4096x8192xf32, #tpu.memory_space<hbm>> -> memref<1x8192xf32, #tpu.memory_space<hbm>>
      tpu.enqueue_dma source(%arg9 : memref<1x8192xf32, #tpu.memory_space<vmem>>) target(%dma_start3A_83 : memref<1x8192xf32, #tpu.memory_space<hbm>>) target_semaphore(%arg13 : memref<!tpu.dma_semaphore, #tpu.memory_space<semaphore_mem>>)
      %add3A_84 = arith.constant 2 : i32
      %add3A_85 = arith.addi %add3A_61, %add3A_84 : i32
      %lt3A_86 = arith.constant 128 : i32
      %lt3A_87 = arith.cmpi slt, %add3A_85, %lt3A_86 : i32
      %convert_element_type3A_88 = arith.extui %lt3A_87 : i1 to i32
      %cond3A_89 = arith.constant 0 : i32
      %cond3A_90 = arith.cmpi ne, %convert_element_type3A_88, %cond3A_89 : i32
      scf.if %cond3A_90 {
        %add3A_91 = arith.constant 2 : i32
        %add3A_92 = arith.addi %add3A_61, %add3A_91 : i32
        %mul3A_93 = arith.constant 1 : i32
        %mul3A_94 = arith.muli %add3A_92, %mul3A_93 : i32
        %add3A_95 = arith.addi %mul3A_2, %mul3A_94 : i32
        %dma_start3A_96 = arith.constant 0 : i32
        %dma_start3A_97 = tpu.memref_slice %arg2[%add3A_95, %dma_start3A_96] : memref<4096x8192xf32, #tpu.memory_space<hbm>> -> memref<1x8192xf32, #tpu.memory_space<hbm>>
        %dma_start3A_98 = arith.constant 0 : i32
        %dma_start3A_99 = tpu.memref_slice %arg2[%add3A_95, %dma_start3A_98] : memref<4096x8192xf32, #tpu.memory_space<hbm>> -> memref<1x8192xf32, #tpu.memory_space<hbm>>
        tpu.enqueue_dma source(%dma_start3A_99 : memref<1x8192xf32, #tpu.memory_space<hbm>>) target(%arg7 : memref<1x8192xf32, #tpu.memory_space<vmem>>) target_semaphore(%arg11 : memref<!tpu.dma_semaphore, #tpu.memory_space<semaphore_mem>>)
      } else {
      }
    }
    %scan3A_17 = arith.constant 64 : i32
    %add3A_18 = arith.constant 126 : i32
    %add3A_19 = arith.addi %mul3A_2, %add3A_18 : i32
    %dma_wait3A = arith.constant 0 : i32
    %dma_wait3A_20 = tpu.memref_slice %arg4[%add3A_19, %dma_wait3A] : memref<4096x8192xf32, #tpu.memory_space<hbm>> -> memref<1x8192xf32, #tpu.memory_space<hbm>>
    %dma_wait3A_21 = arith.constant 0 : i32
    %dma_wait3A_22 = tpu.memref_slice %arg4[%add3A_19, %dma_wait3A_21] : memref<4096x8192xf32, #tpu.memory_space<hbm>> -> memref<1x8192xf32, #tpu.memory_space<hbm>>
    tpu.wait_dma2 semaphore(%arg12 : memref<!tpu.dma_semaphore, #tpu.memory_space<semaphore_mem>>) src(%arg8 : memref<1x8192xf32, #tpu.memory_space<vmem>>) dst(%dma_wait3A_22 : memref<1x8192xf32, #tpu.memory_space<hbm>>)
    %add3A_23 = arith.constant 127 : i32
    %add3A_24 = arith.addi %mul3A_2, %add3A_23 : i32
    %dma_wait3A_25 = arith.constant 0 : i32
    %dma_wait3A_26 = tpu.memref_slice %arg4[%add3A_24, %dma_wait3A_25] : memref<4096x8192xf32, #tpu.memory_space<hbm>> -> memref<1x8192xf32, #tpu.memory_space<hbm>>
    %dma_wait3A_27 = arith.constant 0 : i32
    %dma_wait3A_28 = tpu.memref_slice %arg4[%add3A_24, %dma_wait3A_27] : memref<4096x8192xf32, #tpu.memory_space<hbm>> -> memref<1x8192xf32, #tpu.memory_space<hbm>>
    tpu.wait_dma2 semaphore(%arg13 : memref<!tpu.dma_semaphore, #tpu.memory_space<semaphore_mem>>) src(%arg9 : memref<1x8192xf32, #tpu.memory_space<vmem>>) dst(%dma_wait3A_28 : memref<1x8192xf32, #tpu.memory_space<hbm>>)
    return
  }
}

</mosaic_0001>

<sc_bundles>
// kernel: kernel.3.cloned.1.call-start
scs
__scs_entry_jumppad:
0x0: {  	(pc) =	sbr.rel $0x88, $3  }
0x1: {  	(tag) =	ssettag $0x0;
	lr =	simm.s32 $0x1  }
0x2: {  	[smem:$0x3F9F] =	sst lr;
	_ =	strace $0xD0000000  }
0x3: {  	_ = 	snop  }
0x4: {  	_ = 	snop  }
0x5: {  	_ = 	snop  }
0x6: {  	_ = 	snop  }
0x7: {  	_ = 	snop  }
__scs_overlays_trampoline_lowered:
0x8: {  	[smem:$0x3FAE] =	sst s0  }
0x9: {  	[smem:$0x3FAF] =	sst s1  }
0xa: {  	[smem:$0x3FB0] =	sst s2  }
0xb: {  	[smem:$0x3FB1] =	sst s3  }
0xc: {  	[smem:$0x3FB2] =	sst s4  }
0xd: {  	[smem:$0x3FB3] =	sst s5  }
0xe: {  	[smem:$0x3FB4] =	sst s6  }
0xf: {  	[smem:$0x3FB5] =	sst s7  }
0x10: {  	[smem:$0x3FB6] =	sst s8  }
0x11: {  	[smem:$0x3FB7] =	sst s9;
	s0 =	simm.s32 @!p0 $0x0  }
0x12: {  	s1 =	sld [smem:$0x3F9D];
	s0 =	simm.s32 @p0 $0x1  }
0x13: {  	[smem:$0x3FB8] =	sst s0;
	s0 =	simm.s32 @!p1 $0x0  }
0x14: {  	s2 =	sld [smem:$0x3F9C];
	s0 =	simm.s32 @p1 $0x1  }
0x15: {  	[smem:$0x3FB9] =	sst s0;
	s0 =	simm.s32 @!p2 $0x0  }
0x16: {  	s3 =	sld [smem:$0x3FDB];
	s0 =	simm.s32 @p2 $0x1  }
0x17: {  	s4 =	simm.s32 $0x1BF5;
	[smem:$0x3FBB] =	sst s0  }
0x18: {  	s0 =	sld [smem:$0x3F9E];
	_ =	swait.ge [sflag:s4], $0x0  }
0x19: {  	s7 =	sld [smem:$0x3F9F]  }
0x1a: {  	s8 =	sadd.s32 $0xFFFFE003, lr  }
0x1b: {  	s9 =	sadd.s32 $0xFFFFFEF7, lr;
	s5 =	simm.s32 $0xFFFFFFFF;
	p2 =	slt.u32 s8, $0xFFFFF086  }
0x1c: {  	p1 =	slt.u32 s9, $0xF7A;
	s5 =	simm.s32 @!p2 $0x0  }
0x1d: {  	s5 =	simm.s32 @p1 $0x1;
	p0 =	seq.s32 s7, s2  }
0x1e: {  	s7 =	smul.u32 @!p0 $0xF7A, s2;
	p2 =	seq.s32 @!p0 s5, $0x0  }
0x1f: {  	s9 =	smul.u32 $0xF7A, s1;
	s8 =	simm.s32 @!p0 $0x1BF5;
	p2 =	por !p2, p0  }
0x20: {  	[sflag:s8] =	ssyncset.s32 @!p0 $0xFFFFF086;
	s6 =	sadd.s32 @!p0 s3, s7;
	s7 =	simm.s32 @!p0 $0x108  }
0x21: {  	s3 =	sadd.s32 s3, s9;
	s6 =	sadd.s32 @!p0 $0x88, s6;
	s7 =	simm.s32 @p2 $0x1082  }
0x22: {  	[simem:s7], [sflag:s8] =	dma.local @!p0 [hbm:s6], $0xF7A  }
0x23: {  	s9 =	sor.u32 $0xD0000000, s2;
	s6 =	simm.s32 $0x108;
	_ =	swait.ge @!p0 [sflag:s8], $0x0  }
0x24: {  	s3 =	sadd.s32 $0x88, s3;
	s6 =	simm.s32 @!p1 $0x1082;
	[sflag:s4] =	ssyncset.s32 $0xFFFFF086  }
0x25: {  	[simem:s6], [sflag:s4] =	dma.local [hbm:s3], $0xF7A  }
0x26: {  	[smem:$0x3F9F] =	sst s1;
	(tag) =	ssettag s2;
	_ =	strace s9  }
0x27: {  	s1 =	sld [smem:$0x3FAF]  }
0x28: {  	s2 =	sld [smem:$0x3FB0]  }
0x29: {  	s4 =	sld [smem:$0x3FB2]  }
0x2a: {  	p0 =	seq.s32 s5, $0x0;
	s5 =	sld [smem:$0x3FB3]  }
0x2b: {  	s6 =	sld [smem:$0x3FB4]  }
0x2c: {  	s7 =	sld [smem:$0x3FB5]  }
0x2d: {  	s3 =	simm.s32 $0x108;
	s8 =	sld [smem:$0x3FB6]  }
0x2e: {  	s3 =	simm.s32 @!p0 $0x1082;
	s9 =	sld [smem:$0x3FB7]  }
0x2f: {  	lr =	sadd.s32 s0, s3;
	s0 =	sld [smem:$0x3FAE]  }
0x30: {  	s3 =	sld [smem:$0x3FB1]  }
0x31: {  	[smem:$0x3FBA] =	sst s10  }
0x32: {  	s10 =	sld [smem:$0x3FB8];
	_ =	sdelay $0x3  }
0x33: {  	p0 =	seq.s32 s10, $0x1;
	s10 =	sld [smem:$0x3FBA];
	_ =	sdelay $0x3  }
0x34: {  	[smem:$0x3FBA] =	sst s10  }
0x35: {  	s10 =	sld [smem:$0x3FB9];
	_ =	sdelay $0x3  }
0x36: {  	p1 =	seq.s32 s10, $0x1;
	s10 =	sld [smem:$0x3FBA];
	_ =	sdelay $0x3  }
0x37: {  	[smem:$0x3FBA] =	sst s10  }
0x38: {  	s10 =	sld [smem:$0x3FBB]  }
0x39: {  	_ = 	snop;
	(pc) =	sbr.ind lr, $3  }
0x3a: {  	_ = 	snop  }
0x3b: {  	_ = 	snop  }
0x3c: {  	p2 =	seq.s32 s10, $0x1;
	s10 =	sld [smem:$0x3FBA]  }
0x3d: {  	_ =	shalt  }
0x3e: {  	_ =	shalt  }
0x3f: {  	_ =	shalt  }
0x40: {  	_ =	shalt  }
0x41: {  	_ =	shalt  }
0x42: {  	_ =	shalt  }
0x43: {  	_ =	shalt  }
0x44: {  	_ =	shalt  }
0x45: {  	_ =	shalt  }
0x46: {  	_ =	shalt  }
0x47: {  	_ =	shalt  }
0x48: {  	_ =	shalt  }
0x49: {  	_ =	shalt  }
0x4a: {  	_ =	shalt  }
0x4b: {  	_ =	shalt  }
0x4c: {  	_ =	shalt  }
0x4d: {  	_ =	shalt  }
0x4e: {  	_ =	shalt  }
0x4f: {  	_ =	shalt  }
0x50: {  	_ =	shalt  }
0x51: {  	_ =	shalt  }
0x52: {  	_ =	shalt  }
0x53: {  	_ =	shalt  }
0x54: {  	_ =	shalt  }
0x55: {  	_ =	shalt  }
0x56: {  	_ =	shalt  }
0x57: {  	_ =	shalt  }
0x58: {  	_ =	shalt  }
0x59: {  	_ =	shalt  }
0x5a: {  	_ =	shalt  }
0x5b: {  	_ =	shalt  }
0x5c: {  	_ =	shalt  }
0x5d: {  	_ =	shalt  }
0x5e: {  	_ =	shalt  }
0x5f: {  	_ =	shalt  }
0x60: {  	_ =	shalt  }
0x61: {  	_ =	shalt  }
0x62: {  	_ =	shalt  }
0x63: {  	_ =	shalt  }
0x64: {  	_ =	shalt  }
0x65: {  	_ =	shalt  }
0x66: {  	_ =	shalt  }
0x67: {  	_ =	shalt  }
0x68: {  	_ =	shalt  }
0x69: {  	_ =	shalt  }
0x6a: {  	_ =	shalt  }
0x6b: {  	_ =	shalt  }
0x6c: {  	_ =	shalt  }
0x6d: {  	_ =	shalt  }
0x6e: {  	_ =	shalt  }
0x6f: {  	_ =	shalt  }
0x70: {  	_ =	shalt  }
0x71: {  	_ =	shalt  }
0x72: {  	_ =	shalt  }
0x73: {  	_ =	shalt  }
0x74: {  	_ =	shalt  }
0x75: {  	_ =	shalt  }
0x76: {  	_ =	shalt  }
0x77: {  	_ =	shalt  }
0x78: {  	_ =	shalt  }
0x79: {  	_ =	shalt  }
0x7a: {  	_ =	shalt  }
0x7b: {  	_ =	shalt  }
0x7c: {  	_ =	shalt  }
0x7d: {  	_ =	shalt  }
0x7e: {  	_ =	shalt  }
0x7f: {  	_ =	shalt  }
0x80: {  	_ =	shalt  }
0x81: {  	_ =	shalt  }
0x82: {  	_ =	shalt  }
0x83: {  	_ =	shalt  }
0x84: {  	_ =	shalt  }
0x85: {  	_ =	shalt  }
0x86: {  	_ =	shalt  }
0x87: {  	_ =	shalt  }
.Lfunc_end0:
.L_simem_size_0:
called_computation_lowered:
.L_overlay_start_0:
0x88: {  	s2 =	sld [smem:$0x3FD9]  }
0x89: {  	s3 =	sld [smem:$0x3FFE];
	_ =	sdelay $0x1  }
0x8a: {  	s1 =	srdreg.scid  }
0x8b: {  	s0 =	sand.u32 $0x1, s1  }
0x8c: {  	s17 =	sshll.u32 s0, $0xA;
	s2 =	sadd.s32 s3, s2  }
0x8d: {  	s2 =	sadd.s32 s2, s17  }
0x8e: {  	[smem:$0x3FC6] =	sst s2  }
0x8f: {  	_ = 	snop  }
0x90: {  	s2 =	sld [smem:$0x3FC9]  }
0x91: {  	s18 =	sld [smem:$0x3FD0];
	(tm) =	ssettm $0x1  }
0x92: {  	s4 =	sld [smem:$0x3FFB];
	_ =	sdelay $0x3  }
0x93: {  	_ =	strace s4  }
0x94: {  	s4 =	sld [smem:$0x3FFC];
	_ =	sdelay $0x3  }
0x95: {  	_ =	strace s4  }
0x96: {  	s4 =	sld [smem:$0x3FFD];
	_ =	sdelay $0x3  }
0x97: {  	_ =	strace s4  }
0x98: {  	_ =	strace $0x8FFFFFFF  }
0x99: {  	s19 =	sld [smem:$0x3FDB];
	_ =	sdelay $0x1  }
0x9a: {  	s5 =	simm.s32 $_scs_section_size  }
0x9b: {  	s6 =	simm.s32 $_size__tile_overlayer_lowered;
	s7 =	simm.s32 $_tile_overlayer_lowered  }
0x9c: {  	s22 =	simm.s32 $0x1BFF;
	s21 =	sshll.u32 s7, $0x1;
	s4 =	sadd.s32 s5, s19  }
0x9d: {  	s8 =	simm.s32 $0x0;
	s20 =	sshll.u32 s6, $0x1;
	s6 =	sadd.s32 s21, s4  }
0x9e: {  	[timem:s8], [sflag:s22] =	dma.local [hbm:s6], s20  }
0x9f: {  	_ =	swait.ge [sflag:s22], s20  }
0xa0: {  	s5 =	ssub.s32 $0x0, s20;
	[sflag:s22] =	ssyncset.done $0x0  }
0xa1: {  	[sflag:s22] =	ssyncadd.s32 s5;
	_ =	sdelay $0x1  }
0xa2: {  	s23 =	simm.s32 $0x1B8B  }
0xa3: {  	_ =	swait.ge [sflag:s23], $0x1  }
0xa4: {  	[sflag:s23] =	ssyncset.done $0x0  }
0xa5: {  	s25 =	simm.s32 $0x1B8E;
	s24 =	sld [smem:$0x3FFE];
	[sflag:s23] =	ssyncadd.s32 $0xFFFFFFFF  }
0xa6: {  	s26 =	simm.s32 $execute0_lowered;
	[smem:$0x3FD2] =	sst s25  }
0xa7: {  	s6 =	sshll.u32 s26, $0x1;
	_ =	strace $0x80000046;
	[dreg:$0x1] =	wrdreg $0xFFFFFFFF  }
0xa8: {  	s28 =	simm.s32 $_size_execute0_lowered;
	s4 =	sadd.s32 s4, s6;
	[dreg:$0x0] =	wrdreg $0x0  }
0xa9: {  	s6 =	sshll.u32 s28, $0x1;
	[dreg:$0x2] =	wrdreg s4  }
0xaa: {  	[dreg:$0x3] =	wrdreg s6  }
0xab: {  	[dreg:$0x4] =	wrdreg $0xC0  }
0xac: {  	_ =	task [dreg:s8], $0x5FFFF  }
0xad: {  	[dreg:$0x1] =	wrdreg $0xFFFFFFFF  }
0xae: {  	[dreg:$0x0] =	wrdreg $0x60  }
0xaf: {  	[dreg:$0x2] =	wrdreg s2  }
0xb0: {  	[dreg:$0x3] =	wrdreg s24  }
0xb1: {  	[dreg:$0x4] =	wrdreg s18  }
0xb2: {  	[dreg:$0x5] =	wrdreg $0x9  }
0xb3: {  	_ =	task.clear_ibuf [dreg:s8], $0x6FFFF;
	_ =	strace $0x90000046  }
0xb4: {  	s29 =	simm.s32 $0x9;
	_ =	strace $0x80000048  }
0xb5: {  	_ =	swait.ge [sflag:s29], $0x1  }
0xb6: {  	[sflag:s29] =	ssyncadd.s32 $0xFFFFFFFF  }
0xb7: {  	_ =	strace $0x90000048  }
0xb8: {  	_ =	sfence  }
0xb9: {  	s30 =	sld [smem:$0x0];
	_ =	sdelay $0x2  }
0xba: {  	s31 =	sshll.u32 s1, $0xD;
	s1 =	sshrl.u32 s1, $0x2  }
0xbb: {  	s3 =	sand.u32 $0x4000, s31;
	s1 =	sadd.s32 s1, s30  }
0xbc: {  	s0 =	sor.u32 s3, s0;
	s1 =	sshll.u32 s1, $0x11  }
0xbd: {  	s0 =	sor.u32 s1, s0  }
0xbe: {  	s0 =	sadd.s32 $0x8F2B, s0  }
0xbf: {  	[sflag:s0] =	ssyncadd.remote.s32 $0x1  }
0xc0: {  	_ =	sfence.sel $0xFFFF  }
0xc1: {  	[dreg:$0x0] =	wrdreg $0xFFFFFFFF;
	(pc) =	sbr.abs _section_cstart, $3  }
0xc2: {  	[dreg:$0x1] =	wrdreg $0xFFFFFFFF  }
0xc3: {  	_ =	task.clear_ibuf [dreg:s8], $0x2FFFF;
	_ =	strace $0x9FFFFFFF  }
0xc4: {  	(tm) =	ssettm $0x7FFFFFFF  }
0xc5: {  	_ =	shalt  }
tec
execute0_lowered:
.L_overlay_start_1:
0x0: {  	(tag) =	ssettag $0x1  }
0x1: {  	s2 =	rddreg [dreg:$0x0]  }
0x2: {  	s7 =	rddreg [dreg:$0x1]  }
0x3: {  	s0 =	srdreg.scid;
	s3 =	rddreg [dreg:$0x2]  }
0x4: {  	s1 =	stileid.u32;
	s4 =	simm.s32 $0x0;
	s10 =	simm.s32 $0x5  }
0x5: {  	s11 =	simm.s32 $0x80;
	s12 =	simm.s32 $0x400;
	s13 =	simm.s32 $0x8080  }
0x6: {  	s14 =	simm.s32 $0xA080;
	s15 =	simm.s32 $0x1;
	s16 =	simm.s32 $0xC080  }
0x7: {  	s17 =	simm.s32 $0x2;
	s18 =	simm.s32 $0xE080;
	s19 =	simm.s32 $0x3  }
0x8: {  	s20 =	simm.s32 $0x4;
	s21 =	simm.s32 $0x0;
	s5 =	sand.u32 $0x1, s0  }
.Ltmp0:
0x9: {  	s6 =	sshll.u32 s1, $0x8;
	s8 =	sshll.u32 s5, $0x7;
	(pc) =	sbr.rel .LBB2_1-.Ltmp0, $4  }
0xa: {  	s0 =	rddreg [dreg:$0x3];
	s9 =	ssub.s32 $0x2, s5;
	s5 =	sor.u32 s8, s6  }
0xb: {  	[smem:$0x7FF] =	sst s4;
	s31 =	sshrl.u32 s9, $0x1;
	s8 =	sshll.u32 s5, $0xA  }
0xc: {  	s7 =	sadd.s32 $0x400, s7;
	s9 =	ssub.s32 s9, s31;
	s6 =	sadd.s32 s2, s8  }
0xd: {  	_ =	strace $0x80000047;
	s9 =	smax.u32 s9, $0x1;
	s8 =	sadd.s32 $0x10, s6  }
.LBB2_8:
0xe: {  	s21 =	sadd.s32 $0x1, s21  }
0xf: {  	_ =	swait.ge [sflag:s19], $0x2000;
	p0 =	sne.s32 s21, s9  }
.Ltmp1:
0x10: {  	[sflag:s19] =	ssyncset.done $0x0;
	(pc) =	sbr.rel @!p0 .LBB2_9-.Ltmp1, $4  }
0x11: {  	[sflag:s19] =	ssyncadd.s32 $0xFFFFE000  }
0x12: {  	_ =	swait.ge [sflag:s20], $0x2000  }
0x13: {  	[sflag:s20] =	ssyncset.done $0x0  }
0x14: {  	[sflag:s20] =	ssyncadd.s32 $0xFFFFE000  }
.LBB2_1:
0x15: {  	[tilespmem:s4], [sflag:$0x5] =	stream.linear.gather [hbm4b:s7+s4], $0x8080, $0x38;
	[tilespmem:$0x10080] =	vst v63  }
0x16: {  	_ =	swait.ge [sflag:s10], $0x8080  }
0x17: {  	[sflag:s10] =	ssyncset.done $0x0  }
0x18: {  	[sflag:s10] =	ssyncadd.s32 $0xFFFF7F80  }
0x19: {  	[tilespmem:s13], [sflag:$0x1] =	stream.strided.gather [hbm4b:s6+s11], $0x2000, s12, s11, $0x38;
	[tilespmem:$0x10080] =	vst v63  }
0x1a: {  	s22 =	simm.s32 $0x0  }
0x1b: {  	[tilespmem:s14], [sflag:$0x2] =	stream.strided.gather [hbm4b:s8+s11], $0x2000, s12, s11, $0x38;
	[tilespmem:$0x10080] =	vst v63  }
.LBB2_2:
0x1c: {  	_ =	swait.ge [sflag:s15], $0x2000  }
0x1d: {  	p0 =	seq.s32 s22, $0x0;
	[sflag:s15] =	ssyncset.done $0x0  }
0x1e: {  	s23 =	simm.s32 @!p0 $0x3;
	[sflag:s15] =	ssyncadd.s32 $0xFFFFE000  }
0x1f: {  	_ =	swait.ge @!p0 [sflag:s23], $0x2000  }
0x20: {  	[sflag:s23] =	ssyncset.done @!p0 $0x0  }
0x21: {  	s26 =	simm.s32 $0x80C0;
	[sflag:s23] =	ssyncadd.s32 @!p0 $0xFFFFE000  }
0x22: {  	v0 =	vld [tilespmem:s26+$0x30]  }
0x23: {  	v1 =	vld [tilespmem:s26+$0xFFFFFFD0]  }
0x24: {  	v2 =	vld [tilespmem:s26+$0xFFFFFFE0]  }
0x25: {  	v3 =	vld [tilespmem:s26+$0xFFFFFFF0]  }
0x26: {  	v4 =	vld [tilespmem:s26+$0x0]  }
0x27: {  	v5 =	vld [tilespmem:s26+$0xFFFFFFC0]  }
0x28: {  	v6 =	vld [tilespmem:s26+$0x10]  }
0x29: {  	v7 =	vld [tilespmem:s26+$0x20]  }
0x2a: {  	v0 =	vand.u32 $0x7FFFFFFF, v0  }
0x2b: {  	v1 =	vand.u32 $0x7FFFFFFF, v1;
	v2 =	vand.u32 $0x7FFFFFFF, v2;
	v3 =	vand.u32 $0x7FFFFFFF, v3  }
0x2c: {  	v4 =	vand.u32 $0x7FFFFFFF, v4;
	v5 =	vand.u32 $0x7FFFFFFF, v5;
	v0 =	vmul.f32 $5.120000000e+02, v0  }
0x2d: {  	v6 =	vand.u32 $0x7FFFFFFF, v6;
	v1 =	vmul.f32 $5.120000000e+02, v1;
	v2 =	vmul.f32 $5.120000000e+02, v2  }
0x2e: {  	v7 =	vand.u32 $0x7FFFFFFF, v7;
	v3 =	vmul.f32 $5.120000000e+02, v3;
	v5 =	vmul.f32 $5.120000000e+02, v5  }
0x2f: {  	v4 =	vmul.f32 $5.120000000e+02, v4;
	v6 =	vmul.f32 $5.120000000e+02, v6;
	v0 =	vmin.f32 v0, $3.276900000e+04  }
0x30: {  	v7 =	vmul.f32 $5.120000000e+02, v7;
	v8 =	vtrunc.f32 v0  }
0x31: {  	v5 =	vmin.f32 v5, $3.276900000e+04;
	v1 =	vmin.f32 v1, $3.276900000e+04;
	v8 =	vcvt.f32.s32 v8  }
0x32: {  	v2 =	vmin.f32 v2, $3.276900000e+04;
	v11 =	vmin.f32 v3, $3.276900000e+04;
	v10 =	vtrunc.f32 v5  }
0x33: {  	v6 =	vmin.f32 v6, $3.276900000e+04;
	v3 =	vcvt.f32.s32 v10;
	v9 =	vadd.s32 $0x1, v8  }
0x34: {  	v7 =	vmin.f32 v7, $3.276900000e+04;
	v12 =	vtrunc.f32 v2;
	v13 =	vtrunc.f32 v11  }
0x35: {  	v17 =	vtrunc.f32 v6;
	v18 =	vtrunc.f32 v7;
	v15 =	vadd.s32 $0x1, v3  }
0x36: {  	v10 =	vmin.f32 v4, $3.276900000e+04;
	v4 =	vtrunc.f32 v1;
	v12 =	vcvt.f32.s32 v12  }
0x37: {  	v13 =	vcvt.f32.s32 v13;
	v21 =	vcvt.f32.s32 v17;
	v14 =	vld.idx.msk [tilespmem:v8+s4+$0x0], $0xffff  }
0x38: {  	v18 =	vcvt.f32.s32 v18;
	v16 =	vtrunc.f32 v10;
	v9 =	vld.idx.msk [tilespmem:v9+s4+$0x0], $0xffff  }
0x39: {  	v19 =	vcvt.f32.s32 v4;
	v4 =	vcvt.s32.f32 v8;
	v8 =	vld.idx.msk [tilespmem:v3+s4+$0x0], $0xffff  }
0x3a: {  	s31 =	simm.s32 $0x8140;
	v16 =	vcvt.f32.s32 v16;
	v24 =	vcvt.s32.f32 v12;
	v15 =	vld.idx.msk [tilespmem:v15+s4+$0x0], $0xffff  }
0x3b: {  	v29 =	vld [tilespmem:s31+$0xFFFFFFD0];
	v17 =	vadd.s32 $0x1, v12;
	v26 =	vcvt.s32.f32 v13;
	v3 =	vcvt.s32.f32 v3  }
0x3c: {  	v30 =	vcvt.s32.f32 v21;
	v20 =	vadd.s32 $0x1, v19;
	v0 =	vsub.f32 v0, v4  }
0x3d: {  	v27 =	vcvt.s32.f32 v16;
	v31 =	vsub.f32 v5, v3;
	v4 =	vsub.f32 v9, v14  }
0x3e: {  	v25 =	vld [tilespmem:s31+$0x30];
	v22 =	vcvt.s32.f32 v19;
	v3 =	vsub.f32 v2, v24;
	v5 =	vsub.f32 v11, v26  }
0x3f: {  	v32 =	vld [tilespmem:s31+$0xFFFFFFE0];
	v2 =	vsub.f32 v10, v27;
	v15 =	vsub.f32 v15, v8;
	v0 =	vmul.f32 v0, v4  }
0x40: {  	v10 =	vand.u32 $0x7FFFFFFF, v29;
	v4 =	vsub.f32 v1, v22;
	v1 =	vsub.f32 v6, v30;
	v6 =	vld [tilespmem:s31+$0x10]  }
0x41: {  	v11 =	vmul.f32 v31, v15;
	v33 =	vadd.f32 v0, v14;
	v0 =	vcvt.s32.f32 v18;
	v14 =	vld [tilespmem:s31+$0xFFFFFFF0]  }
0x42: {  	v23 =	vadd.s32 $0x1, v16;
	v10 =	vmul.f32 $5.120000000e+02, v10;
	v9 =	vadd.s32 $0x1, v13;
	v15 =	vld [tilespmem:s31+$0x0]  }
0x43: {  	v36 =	vadd.f32 v11, v8;
	v8 =	vld [tilespmem:s31+$0x20];
	v0 =	vsub.f32 v7, v0;
	v7 =	vand.u32 $0x7FFFFFFF, v25  }
0x44: {  	v28 =	vadd.s32 $0x1, v21;
	v22 =	vand.u32 $0x7FFFFFFF, v32;
	v11 =	vld [tilespmem:s31+$0xFFFFFFC0];
	v7 =	vmul.f32 $5.120000000e+02, v7  }
0x45: {  	v24 =	vadd.s32 $0x1, v18;
	v37 =	vmin.f32 v10, $3.276900000e+04;
	v25 =	vld.idx.msk [tilespmem:v20+s4+$0x0], $0xffff;
	v20 =	vmul.f32 $5.120000000e+02, v22  }
0x46: {  	v17 =	vld.idx.msk [tilespmem:v17+s4+$0x0], $0xffff;
	v6 =	vand.u32 $0x7FFFFFFF, v6;
	v14 =	vand.u32 $0x7FFFFFFF, v14;
	v29 =	vmin.f32 v7, $3.276900000e+04  }
0x47: {  	v7 =	vand.u32 $0x7FFFFFFF, v15;
	v15 =	vld.idx.msk [tilespmem:v9+s4+$0x0], $0xffff;
	v14 =	vmul.f32 $5.120000000e+02, v14;
	v9 =	vtrunc.f32 v29  }
0x48: {  	v30 =	vld.idx.msk [tilespmem:v23+s4+$0x0], $0xffff;
	v42 =	vmin.f32 v20, $3.276900000e+04;
	v22 =	vmul.f32 $5.120000000e+02, v7;
	v31 =	vcvt.f32.s32 v9  }
0x49: {  	v7 =	vand.u32 $0x7FFFFFFF, v8;
	v8 =	vld.idx.msk [tilespmem:v19+s4+$0x0], $0xffff;
	v9 =	vmul.f32 $5.120000000e+02, v6;
	v6 =	vand.u32 $0x7FFFFFFF, v11  }
0x4a: {  	v10 =	vmul.f32 $5.120000000e+02, v7;
	v7 =	vld.idx.msk [tilespmem:v12+s4+$0x0], $0xffff;
	v12 =	vmul.f32 $5.120000000e+02, v6;
	v11 =	vadd.s32 $0x1, v31  }
0x4b: {  	v6 =	vld.idx.msk [tilespmem:v13+s4+$0x0], $0xffff;
	v43 =	vmin.f32 v14, $3.276900000e+04;
	v23 =	vmin.f32 v22, $3.276900000e+04;
	v13 =	vtrunc.f32 v42  }
0x4c: {  	v22 =	vmin.f32 v9, $3.276900000e+04;
	v14 =	vtrunc.f32 v43;
	v19 =	vtrunc.f32 v23  }
0x4d: {  	v9 =	vld.idx.msk [tilespmem:v16+s4+$0x0], $0xffff;
	v16 =	vcvt.f32.s32 v13;
	v38 =	vmin.f32 v12, $3.276900000e+04;
	v12 =	vtrunc.f32 v37  }
0x4e: {  	v20 =	vmin.f32 v10, $3.276900000e+04;
	v61 =	vtrunc.f32 v22;
	v10 =	vtrunc.f32 v38;
	v40 =	vld.idx.msk [tilespmem:v31+s4+$0x0], $0xffff  }
0x4f: {  	v27 =	vsub.f32 v25, v8;
	v44 =	vadd.s32 $0x1, v16;
	v35 =	vcvt.f32.s32 v10;
	v34 =	vld.idx.msk [tilespmem:v11+s4+$0x0], $0xffff  }
0x50: {  	v24 =	vld.idx.msk [tilespmem:v24+s4+$0x0], $0xffff;
	v26 =	vsub.f32 v17, v7;
	v17 =	vcvt.f32.s32 v12;
	v12 =	vcvt.f32.s32 v19  }
0x51: {  	v13 =	vld.idx.msk [tilespmem:v18+s4+$0x0], $0xffff;
	v48 =	vcvt.s32.f32 v16;
	v25 =	vsub.f32 v15, v6;
	v41 =	vadd.s32 $0x1, v35  }
0x52: {  	v15 =	vcvt.f32.s32 v14;
	v14 =	vld.idx.msk [tilespmem:v21+s4+$0x0], $0xffff;
	v21 =	vcvt.s32.f32 v31;
	v46 =	vadd.s32 $0x1, v12  }
0x53: {  	v39 =	vld.idx.msk [tilespmem:v28+s4+$0x0], $0xffff;
	v10 =	vcvt.f32.s32 v61;
	v28 =	vsub.f32 v30, v9;
	v19 =	vadd.s32 $0x1, v17  }
0x54: {  	v11 =	vtrunc.f32 v20;
	v18 =	vsub.f32 v29, v21;
	v21 =	vsub.f32 v34, v40  }
0x55: {  	v47 =	vcvt.s32.f32 v35;
	v62 =	vcvt.s32.f32 v17;
	v45 =	vadd.s32 $0x1, v15;
	v30 =	vld.idx.msk [tilespmem:v35+s4+$0x0], $0xffff  }
0x56: {  	s26 =	simm.s32 $0xC0C0;
	v31 =	vadd.s32 $0x1, v10;
	v32 =	vsub.f32 v24, v13;
	v35 =	vld.idx.msk [tilespmem:v41+s4+$0x0], $0xffff;
	v21 =	vmul.f32 v18, v21  }
0x57: {  	s23 =	sshll.u32 s22, $0x1;
	[tilespmem:s26+$0xFFFFFFC0] =	vst v36;
	v11 =	vcvt.f32.s32 v11;
	v38 =	vsub.f32 v38, v47;
	v36 =	vsub.f32 v37, v62;
	v24 =	vld.idx.msk [tilespmem:v46+s4+$0x0], $0xffff  }
0x58: {  	s25 =	sshll.u32 s22, $0x5;
	s24 =	sadd.s32 s5, s23;
	v49 =	vcvt.s32.f32 v15;
	v37 =	vsub.f32 v42, v48;
	v18 =	vld.idx.msk [tilespmem:v19+s4+$0x0], $0xffff;
	v63 =	vadd.f32 v21, v40  }
0x59: {  	s28 =	simm.s32 $0xC140;
	s29 =	simm.s32 $0x80;
	s24 =	sshll.u32 s24, $0xA;
	[tilespmem:s26+$0x30] =	vst v33;
	v34 =	vsub.f32 v39, v14;
	v39 =	vcvt.s32.f32 v12;
	v19 =	vld.idx.msk [tilespmem:v44+s4+$0x0], $0xffff;
	v40 =	vcvt.s32.f32 v10  }
0x5a: {  	s30 =	simm.s32 $0x81C0;
	s25 =	sand.u32 $0x60, s25;
	s24 =	sand.u32 $0x3FE000, s24;
	v29 =	vadd.s32 $0x1, v11;
	v33 =	vsub.f32 v43, v49;
	v41 =	vcvt.s32.f32 v11;
	v21 =	vld.idx.msk [tilespmem:v45+s4+$0x0], $0xffff;
	[tilespmem:s28+$0x30] =	vst v63  }
.LBB2_3:
0x5b: {  	v42 =	vld [tilespmem:s30+$0x30];
	s29 =	sadd.s32 $0x80, s29;
	v23 =	vsub.f32 v23, v39;
	v22 =	vsub.f32 v22, v40;
	v27 =	vmul.f32 v4, v27;
	v4 =	vmovc v36  }
0x5c: {  	v35 =	vsub.f32 v35, v30;
	v20 =	vsub.f32 v20, v41;
	v26 =	vmul.f32 v3, v26;
	v36 =	vld [tilespmem:s30+$0xFFFFFFD0];
	p1 =	slt.u32 s29, $0x1F80;
	v3 =	vmovc v37  }
0x5d: {  	v5 =	vmul.f32 v5, v25;
	v25 =	vmul.f32 v2, v28;
	v37 =	vld [tilespmem:s30+$0xFFFFFFE0];
	v8 =	vadd.f32 v27, v8;
	v2 =	vmovc v23  }
0x5e: {  	v27 =	vmul.f32 v38, v35;
	v7 =	vadd.f32 v26, v7;
	v26 =	vmul.f32 v1, v34;
	v1 =	vmovc v22;
	v23 =	vld [tilespmem:s30+$0xFFFFFFF0]  }
0x5f: {  	v28 =	vadd.f32 v5, v6;
	v6 =	vadd.f32 v25, v9;
	v22 =	vld [tilespmem:s30+$0x0];
	[tilespmem:s26+$0xFFFFFFD0] =	vst v8;
	v8 =	vmul.f32 v0, v32  }
0x60: {  	v27 =	vadd.f32 v27, v30;
	v0 =	vmovc v20;
	v9 =	vld [tilespmem:s30+$0x10];
	v25 =	vand.u32 $0x7FFFFFFF, v42;
	[tilespmem:s26+$0xFFFFFFE0] =	vst v7;
	v7 =	vadd.f32 v26, v14  }
0x61: {  	v5 =	vmovc v33;
	v14 =	vand.u32 $0x7FFFFFFF, v36;
	v20 =	vld [tilespmem:s30+$0x20];
	v25 =	vmul.f32 $5.120000000e+02, v25;
	[tilespmem:s26+$0xFFFFFFF0] =	vst v28;
	v13 =	vadd.f32 v8, v13  }
0x62: {  	v26 =	vld [tilespmem:s30+$0xFFFFFFC0];
	v14 =	vmul.f32 $5.120000000e+02, v14;
	v8 =	vand.u32 $0x7FFFFFFF, v37;
	[tilespmem:s28+$0xFFFFFFC0] =	vst v27  }
0x63: {  	v27 =	vmul.f32 $5.120000000e+02, v8;
	v8 =	vand.u32 $0x7FFFFFFF, v23;
	v30 =	vmin.f32 v25, $3.276900000e+04;
	v32 =	vld.idx.msk [tilespmem:v31+s4+$0x0], $0xffff;
	[tilespmem:s26+$0x0] =	vst v6  }
0x64: {  	v23 =	vmul.f32 $5.120000000e+02, v8;
	v6 =	vand.u32 $0x7FFFFFFF, v22;
	v8 =	vtrunc.f32 v30;
	v33 =	vld.idx.msk [tilespmem:v29+s4+$0x0], $0xffff;
	[tilespmem:s26+$0x10] =	vst v7  }
0x65: {  	v22 =	vmul.f32 $5.120000000e+02, v6;
	v6 =	vand.u32 $0x7FFFFFFF, v9;
	v29 =	vcvt.f32.s32 v8;
	v8 =	vld.idx.msk [tilespmem:v17+s4+$0x0], $0xffff;
	[tilespmem:s26+$0x20] =	vst v13;
	s26 =	smov.u32 s28  }
0x66: {  	v36 =	vmin.f32 v14, $3.276900000e+04;
	v13 =	vmul.f32 $5.120000000e+02, v6;
	v6 =	vand.u32 $0x7FFFFFFF, v20;
	v7 =	vld.idx.msk [tilespmem:v16+s4+$0x0], $0xffff  }
0x67: {  	v9 =	vand.u32 $0x7FFFFFFF, v26;
	v14 =	vmul.f32 $5.120000000e+02, v6;
	v16 =	vadd.s32 $0x1, v29;
	v6 =	vld.idx.msk [tilespmem:v15+s4+$0x0], $0xffff  }
0x68: {  	v37 =	vmin.f32 v27, $3.276900000e+04;
	v42 =	vmin.f32 v23, $3.276900000e+04;
	v15 =	vmul.f32 $5.120000000e+02, v9;
	v9 =	vld.idx.msk [tilespmem:v12+s4+$0x0], $0xffff  }
0x69: {  	v23 =	vmin.f32 v22, $3.276900000e+04;
	v22 =	vmin.f32 v13, $3.276900000e+04;
	v20 =	vmin.f32 v14, $3.276900000e+04;
	v14 =	vld.idx.msk [tilespmem:v10+s4+$0x0], $0xffff  }
0x6a: {  	v12 =	vtrunc.f32 v37;
	v10 =	vtrunc.f32 v36;
	v38 =	vmin.f32 v15, $3.276900000e+04;
	v13 =	vld.idx.msk [tilespmem:v11+s4+$0x0], $0xffff  }
0x6b: {  	v15 =	vtrunc.f32 v42;
	v27 =	vsub.f32 v18, v8;
	v11 =	vtrunc.f32 v38;
	v41 =	vld.idx.msk [tilespmem:v29+s4+$0x0], $0xffff  }
0x6c: {  	v31 =	vtrunc.f32 v22;
	v18 =	vtrunc.f32 v23;
	v26 =	vsub.f32 v19, v7;
	v34 =	vld.idx.msk [tilespmem:v16+s4+$0x0], $0xffff  }
0x6d: {  	v19 =	vcvt.f32.s32 v11;
	v11 =	vtrunc.f32 v20;
	v25 =	vsub.f32 v21, v6  }
0x6e: {  	v17 =	vcvt.f32.s32 v10;
	v16 =	vcvt.f32.s32 v12;
	v28 =	vsub.f32 v24, v9  }
0x6f: {  	v15 =	vcvt.f32.s32 v15;
	v12 =	vcvt.f32.s32 v18;
	v21 =	vadd.s32 $0x1, v19  }
0x70: {  	v10 =	vcvt.f32.s32 v31;
	v18 =	vadd.s32 $0x1, v17;
	v24 =	vcvt.s32.f32 v29  }
0x71: {  	v43 =	vadd.s32 $0x1, v15;
	v11 =	vcvt.f32.s32 v11;
	v39 =	vadd.s32 $0x1, v16  }
0x72: {  	v44 =	vadd.s32 $0x1, v12;
	v24 =	vsub.f32 v30, v24;
	v34 =	vsub.f32 v34, v41  }
0x73: {  	v31 =	vadd.s32 $0x1, v10;
	v45 =	vcvt.s32.f32 v19;
	v29 =	vadd.s32 $0x1, v11;
	v30 =	vld.idx.msk [tilespmem:v19+s4+$0x0], $0xffff  }
.Ltmp2:
0x74: {  	v24 =	vmul.f32 v24, v34;
	v34 =	vsub.f32 v32, v14;
	v35 =	vld.idx.msk [tilespmem:v21+s4+$0x0], $0xffff;
	v21 =	vcvt.s32.f32 v17;
	(pc) =	sbr.rel @p1 .LBB2_3-.Ltmp2, $4  }
0x75: {  	v47 =	vcvt.s32.f32 v15;
	v46 =	vcvt.s32.f32 v16;
	v32 =	vsub.f32 v33, v13;
	v18 =	vld.idx.msk [tilespmem:v18+s4+$0x0], $0xffff  }
0x76: {  	v40 =	vcvt.s32.f32 v10;
	v48 =	vadd.f32 v24, v41;
	v19 =	vld.idx.msk [tilespmem:v39+s4+$0x0], $0xffff;
	v39 =	vcvt.s32.f32 v12  }
0x77: {  	s28 =	sadd.s32 $0x80, s28;
	v38 =	vsub.f32 v38, v45;
	v41 =	vcvt.s32.f32 v11;
	v36 =	vsub.f32 v36, v21;
	v21 =	vld.idx.msk [tilespmem:v43+s4+$0x0], $0xffff  }
0x78: {  	s30 =	sadd.s32 $0x80, s30;
	v37 =	vsub.f32 v37, v46;
	v33 =	vsub.f32 v42, v47;
	v24 =	vld.idx.msk [tilespmem:v44+s4+$0x0], $0xffff;
	[tilespmem:s28+$0x30] =	vst v48  }
0x79: {  	_ =	sdelay $0x3  }
0x7a: {  	v31 =	vld.idx.msk [tilespmem:v31+s4+$0x0], $0xffff  }
0x7b: {  	v29 =	vld.idx.msk [tilespmem:v29+s4+$0x0], $0xffff  }
0x7c: {  	v23 =	vsub.f32 v23, v39;
	v4 =	vmul.f32 v4, v27;
	v17 =	vld.idx.msk [tilespmem:v17+s4+$0x0], $0xffff  }
0x7d: {  	v22 =	vsub.f32 v22, v40;
	v27 =	vsub.f32 v35, v30;
	v3 =	vmul.f32 v3, v26;
	v16 =	vld.idx.msk [tilespmem:v16+s4+$0x0], $0xffff  }
0x7e: {  	v20 =	vsub.f32 v20, v41;
	v5 =	vmul.f32 v5, v25;
	v4 =	vadd.f32 v4, v8;
	v8 =	vld.idx.msk [tilespmem:v15+s4+$0x0], $0xffff  }
0x7f: {  	v2 =	vmul.f32 v2, v28;
	v15 =	vmul.f32 v38, v27;
	v3 =	vadd.f32 v3, v7;
	v7 =	vld.idx.msk [tilespmem:v12+s4+$0x0], $0xffff  }
0x80: {  	v1 =	vmul.f32 v1, v34;
	[tilespmem:s26+$0xFFFFFFD0] =	vst v4;
	v4 =	vadd.f32 v5, v6;
	v5 =	vld.idx.msk [tilespmem:v10+s4+$0x0], $0xffff  }
0x81: {  	v6 =	vadd.f32 v15, v30;
	[tilespmem:s26+$0xFFFFFFE0] =	vst v3;
	v3 =	vld.idx.msk [tilespmem:v11+s4+$0x0], $0xffff;
	v10 =	vsub.f32 v18, v17  }
0x82: {  	v0 =	vmul.f32 v0, v32;
	v2 =	vadd.f32 v2, v9;
	[tilespmem:s26+$0xFFFFFFF0] =	vst v4;
	v4 =	vsub.f32 v19, v16  }
0x83: {  	v1 =	vadd.f32 v1, v14;
	[tilespmem:s28+$0xFFFFFFC0] =	vst v6;
	v6 =	vsub.f32 v21, v8;
	v9 =	vmul.f32 v36, v10  }
0x84: {  	v0 =	vadd.f32 v0, v13;
	[tilespmem:s26+$0x0] =	vst v2;
	v2 =	vsub.f32 v24, v7;
	v4 =	vmul.f32 v37, v4  }
0x85: {  	[tilespmem:s26+$0x10] =	vst v1;
	v1 =	vsub.f32 v31, v5;
	v9 =	vadd.f32 v9, v17;
	v6 =	vmul.f32 v33, v6  }
0x86: {  	[tilespmem:s26+$0x20] =	vst v0;
	v0 =	vsub.f32 v29, v3;
	v2 =	vmul.f32 v23, v2;
	v4 =	vadd.f32 v4, v16  }
0x87: {  	v1 =	vmul.f32 v22, v1;
	[tilespmem:s28+$0xFFFFFFD0] =	vst v9;
	v6 =	vadd.f32 v6, v8  }
0x88: {  	v2 =	vadd.f32 v2, v7;
	v0 =	vmul.f32 v20, v0;
	[tilespmem:s28+$0xFFFFFFE0] =	vst v4  }
0x89: {  	v1 =	vadd.f32 v1, v5;
	[tilespmem:s28+$0xFFFFFFF0] =	vst v6  }
0x8a: {  	v0 =	vadd.f32 v0, v3;
	[tilespmem:s28+$0x0] =	vst v2  }
0x8b: {  	s31 =	sadd.s32 s3, s25;
	[tilespmem:s28+$0x10] =	vst v1  }
0x8c: {  	p1 =	seq.s32 s22, $0x3F;
	s26 =	sadd.s32 s24, s31;
	[tilespmem:s28+$0x20] =	vst v0  }
0x8d: {  	[hbm4b:s26+s11] =	stream.strided.scatter [tilespmem:s16], [sflag:$0x3], $0x2000, s12, s11, $0x38;
	[tilespmem:$0x10080] =	vst v63  }
0x8e: {  	s26 =	sadd.s32 @!p1 $0x2, s23  }
0x8f: {  	s28 =	sadd.s32 @!p1 s5, s26;
	s26 =	sshll.u32 @!p1 s26, $0x4  }
0x90: {  	s28 =	sshll.u32 @!p1 s28, $0xA;
	s26 =	sand.u32 @!p1 $0x60, s26  }
0x91: {  	s29 =	simm.s32 @!p1 $0x400;
	s28 =	sand.u32 @!p1 $0x7FE000, s28;
	s26 =	sadd.s32 @!p1 s2, s26  }
0x92: {  	s30 =	simm.s32 @!p1 $0x8080;
	s26 =	sadd.s32 @!p1 s28, s26;
	s28 =	simm.s32 @!p1 $0x80  }
0x93: {  	[tilespmem:s30], [sflag:$0x1] =	stream.strided.gather @!p1 [hbm4b:s26+s28], $0x2000, s29, s28, $0x38;
	[tilespmem:$0x10080] =	vst v63  }
0x94: {  	_ =	swait.ge [sflag:s17], $0x2000  }
0x95: {  	[sflag:s17] =	ssyncset.done $0x0  }
0x96: {  	s26 =	simm.s32 @!p0 $0x4;
	[sflag:s17] =	ssyncadd.s32 $0xFFFFE000  }
0x97: {  	_ =	swait.ge @!p0 [sflag:s26], $0x2000  }
0x98: {  	[sflag:s26] =	ssyncset.done @!p0 $0x0  }
0x99: {  	s31 =	simm.s32 $0xA0C0;
	[sflag:s26] =	ssyncadd.s32 @!p0 $0xFFFFE000  }
0x9a: {  	v0 =	vld [tilespmem:s31+$0x30]  }
0x9b: {  	v1 =	vld [tilespmem:s31+$0xFFFFFFD0]  }
0x9c: {  	v2 =	vld [tilespmem:s31+$0xFFFFFFE0]  }
0x9d: {  	v3 =	vld [tilespmem:s31+$0xFFFFFFF0]  }
0x9e: {  	v4 =	vld [tilespmem:s31+$0x0]  }
0x9f: {  	v5 =	vld [tilespmem:s31+$0xFFFFFFC0]  }
0xa0: {  	v6 =	vld [tilespmem:s31+$0x10];
	_ =	sdelay $0x1  }
0xa1: {  	v0 =	vand.u32 $0x7FFFFFFF, v0;
	v1 =	vand.u32 $0x7FFFFFFF, v1  }
0xa2: {  	v7 =	vld [tilespmem:s31+$0x20];
	v2 =	vand.u32 $0x7FFFFFFF, v2;
	v3 =	vand.u32 $0x7FFFFFFF, v3;
	v4 =	vand.u32 $0x7FFFFFFF, v4  }
0xa3: {  	v5 =	vand.u32 $0x7FFFFFFF, v5;
	v0 =	vmul.f32 $5.120000000e+02, v0;
	v1 =	vmul.f32 $5.120000000e+02, v1  }
0xa4: {  	v6 =	vand.u32 $0x7FFFFFFF, v6;
	v2 =	vmul.f32 $5.120000000e+02, v2;
	v5 =	vmul.f32 $5.120000000e+02, v5  }
0xa5: {  	v3 =	vmul.f32 $5.120000000e+02, v3;
	v4 =	vmul.f32 $5.120000000e+02, v4;
	v0 =	vmin.f32 v0, $3.276900000e+04  }
0xa6: {  	v6 =	vmul.f32 $5.120000000e+02, v6;
	v5 =	vmin.f32 v5, $3.276900000e+04;
	v8 =	vtrunc.f32 v0  }
0xa7: {  	v7 =	vand.u32 $0x7FFFFFFF, v7;
	v10 =	vtrunc.f32 v5;
	v8 =	vcvt.f32.s32 v8  }
0xa8: {  	v7 =	vmul.f32 $5.120000000e+02, v7;
	v11 =	vmin.f32 v3, $3.276900000e+04;
	v3 =	vcvt.f32.s32 v10  }
0xa9: {  	v1 =	vmin.f32 v1, $3.276900000e+04;
	v2 =	vmin.f32 v2, $3.276900000e+04;
	v6 =	vmin.f32 v6, $3.276900000e+04  }
0xaa: {  	v7 =	vmin.f32 v7, $3.276900000e+04;
	v12 =	vtrunc.f32 v2;
	v9 =	vadd.s32 $0x1, v8  }
0xab: {  	v13 =	vtrunc.f32 v11;
	v17 =	vtrunc.f32 v6;
	v15 =	vadd.s32 $0x1, v3  }
0xac: {  	v18 =	vtrunc.f32 v7;
	v10 =	vmin.f32 v4, $3.276900000e+04;
	v4 =	vtrunc.f32 v1  }
0xad: {  	v12 =	vcvt.f32.s32 v12;
	v13 =	vcvt.f32.s32 v13;
	v14 =	vld.idx.msk [tilespmem:v8+s4+$0x0], $0xffff  }
0xae: {  	v19 =	vcvt.f32.s32 v4;
	v4 =	vcvt.s32.f32 v8;
	v8 =	vld.idx.msk [tilespmem:v3+s4+$0x0], $0xffff  }
0xaf: {  	v22 =	vcvt.f32.s32 v17;
	v16 =	vtrunc.f32 v10;
	v9 =	vld.idx.msk [tilespmem:v9+s4+$0x0], $0xffff  }
0xb0: {  	s31 =	simm.s32 $0xA140;
	v18 =	vcvt.f32.s32 v18;
	v16 =	vcvt.f32.s32 v16;
	v15 =	vld.idx.msk [tilespmem:v15+s4+$0x0], $0xffff  }
0xb1: {  	v29 =	vld [tilespmem:s31+$0xFFFFFFD0];
	v17 =	vadd.s32 $0x1, v12;
	v24 =	vcvt.s32.f32 v12;
	v3 =	vcvt.s32.f32 v3  }
0xb2: {  	v26 =	vcvt.s32.f32 v13;
	v30 =	vcvt.s32.f32 v22;
	v20 =	vadd.s32 $0x1, v19  }
0xb3: {  	v52 =	vld [tilespmem:s31+$0xFFFFFFE0];
	v21 =	vcvt.s32.f32 v19;
	v0 =	vsub.f32 v0, v4;
	v31 =	vsub.f32 v5, v3  }
0xb4: {  	v27 =	vcvt.s32.f32 v16;
	v3 =	vsub.f32 v2, v24;
	v4 =	vsub.f32 v9, v14  }
0xb5: {  	v25 =	vld [tilespmem:s31+$0x30];
	v23 =	vadd.s32 $0x1, v16;
	v5 =	vsub.f32 v11, v26;
	v15 =	vsub.f32 v15, v8  }
0xb6: {  	v2 =	vsub.f32 v10, v27;
	v10 =	vand.u32 $0x7FFFFFFF, v29;
	v0 =	vmul.f32 v0, v4  }
0xb7: {  	v4 =	vsub.f32 v1, v21;
	v11 =	vmul.f32 v31, v15;
	v1 =	vsub.f32 v6, v30;
	v6 =	vld [tilespmem:s31+$0x10]  }
0xb8: {  	v21 =	vand.u32 $0x7FFFFFFF, v52;
	v53 =	vadd.f32 v0, v14;
	v0 =	vcvt.s32.f32 v18;
	v14 =	vld [tilespmem:s31+$0xFFFFFFF0]  }
0xb9: {  	v10 =	vmul.f32 $5.120000000e+02, v10;
	v9 =	vadd.s32 $0x1, v13;
	v15 =	vld [tilespmem:s31+$0x0];
	v21 =	vmul.f32 $5.120000000e+02, v21  }
0xba: {  	v54 =	vadd.f32 v11, v8;
	v8 =	vld [tilespmem:s31+$0x20];
	v0 =	vsub.f32 v7, v0;
	v7 =	vand.u32 $0x7FFFFFFF, v25  }
0xbb: {  	v11 =	vld [tilespmem:s31+$0xFFFFFFC0];
	v7 =	vmul.f32 $5.120000000e+02, v7  }
0xbc: {  	v17 =	vld.idx.msk [tilespmem:v17+s4+$0x0], $0xffff;
	v56 =	vmin.f32 v10, $3.276900000e+04;
	v31 =	vadd.s32 $0x1, v18;
	v42 =	vmin.f32 v21, $3.276900000e+04  }
0xbd: {  	v20 =	vld.idx.msk [tilespmem:v20+s4+$0x0], $0xffff;
	v6 =	vand.u32 $0x7FFFFFFF, v6;
	v14 =	vand.u32 $0x7FFFFFFF, v14;
	v29 =	vmin.f32 v7, $3.276900000e+04  }
0xbe: {  	v7 =	vand.u32 $0x7FFFFFFF, v15;
	v15 =	vld.idx.msk [tilespmem:v9+s4+$0x0], $0xffff;
	v14 =	vmul.f32 $5.120000000e+02, v14;
	v9 =	vtrunc.f32 v29  }
0xbf: {  	v30 =	vld.idx.msk [tilespmem:v23+s4+$0x0], $0xffff;
	v24 =	vmul.f32 $5.120000000e+02, v7;
	v7 =	vand.u32 $0x7FFFFFFF, v8;
	v55 =	vcvt.f32.s32 v9  }
0xc0: {  	v8 =	vld.idx.msk [tilespmem:v19+s4+$0x0], $0xffff;
	v9 =	vmul.f32 $5.120000000e+02, v6;
	v6 =	vand.u32 $0x7FFFFFFF, v11;
	v10 =	vmul.f32 $5.120000000e+02, v7  }
0xc1: {  	v7 =	vld.idx.msk [tilespmem:v12+s4+$0x0], $0xffff;
	v12 =	vmul.f32 $5.120000000e+02, v6;
	v43 =	vmin.f32 v14, $3.276900000e+04;
	v11 =	vadd.s32 $0x1, v55  }
0xc2: {  	v6 =	vld.idx.msk [tilespmem:v13+s4+$0x0], $0xffff;
	v24 =	vmin.f32 v24, $3.276900000e+04;
	v13 =	vtrunc.f32 v42;
	v23 =	vmin.f32 v9, $3.276900000e+04  }
0xc3: {  	v21 =	vmin.f32 v10, $3.276900000e+04;
	v14 =	vtrunc.f32 v43;
	v19 =	vtrunc.f32 v24  }
0xc4: {  	v9 =	vld.idx.msk [tilespmem:v16+s4+$0x0], $0xffff;
	v16 =	vcvt.f32.s32 v13;
	v57 =	vmin.f32 v12, $3.276900000e+04;
	v12 =	vtrunc.f32 v56  }
0xc5: {  	v10 =	vtrunc.f32 v57;
	v27 =	vsub.f32 v20, v8;
	v20 =	vtrunc.f32 v23;
	v58 =	vld.idx.msk [tilespmem:v55+s4+$0x0], $0xffff  }
0xc6: {  	v28 =	vadd.s32 $0x1, v22;
	v48 =	vcvt.s32.f32 v16;
	v60 =	vcvt.f32.s32 v10;
	v59 =	vld.idx.msk [tilespmem:v11+s4+$0x0], $0xffff  }
0xc7: {  	v62 =	vld.idx.msk [tilespmem:v31+s4+$0x0], $0xffff;
	v26 =	vsub.f32 v17, v7;
	v17 =	vcvt.f32.s32 v12;
	v12 =	vcvt.f32.s32 v19  }
0xc8: {  	v13 =	vld.idx.msk [tilespmem:v18+s4+$0x0], $0xffff;
	v10 =	vcvt.f32.s32 v20;
	v25 =	vsub.f32 v15, v6;
	v44 =	vadd.s32 $0x1, v60  }
0xc9: {  	v15 =	vcvt.f32.s32 v14;
	v14 =	vld.idx.msk [tilespmem:v22+s4+$0x0], $0xffff;
	v22 =	vcvt.s32.f32 v55;
	v19 =	vadd.s32 $0x1, v17  }
0xca: {  	v20 =	vadd.s32 $0x1, v16;
	v37 =	vsub.f32 v42, v48;
	v11 =	vtrunc.f32 v21  }
0xcb: {  	v61 =	vld.idx.msk [tilespmem:v28+s4+$0x0], $0xffff;
	v45 =	vadd.s32 $0x1, v15;
	v18 =	vsub.f32 v29, v22;
	v22 =	vsub.f32 v59, v58  }
0xcc: {  	v28 =	vsub.f32 v30, v9;
	v46 =	vadd.s32 $0x1, v12;
	v47 =	vcvt.s32.f32 v60;
	v30 =	vld.idx.msk [tilespmem:v60+s4+$0x0], $0xffff  }
0xcd: {  	v31 =	vadd.s32 $0x1, v10;
	v63 =	vcvt.s32.f32 v17;
	v35 =	vld.idx.msk [tilespmem:v44+s4+$0x0], $0xffff;
	v22 =	vmul.f32 v18, v22  }
0xce: {  	s28 =	simm.s32 $0xE0C0;
	v32 =	vsub.f32 v62, v13;
	v39 =	vcvt.s32.f32 v12;
	v11 =	vcvt.f32.s32 v11;
	v18 =	vld.idx.msk [tilespmem:v19+s4+$0x0], $0xffff  }
0xcf: {  	[tilespmem:s28+$0x30] =	vst v53;
	v40 =	vcvt.s32.f32 v10;
	v49 =	vcvt.s32.f32 v15;
	v19 =	vld.idx.msk [tilespmem:v20+s4+$0x0], $0xffff;
	v50 =	vadd.f32 v22, v58  }
0xd0: {  	s26 =	simm.s32 $0xE140;
	[tilespmem:s28+$0xFFFFFFC0] =	vst v54;
	v38 =	vsub.f32 v57, v47;
	v36 =	vsub.f32 v56, v63;
	v29 =	vadd.s32 $0x1, v11;
	v20 =	vld.idx.msk [tilespmem:v45+s4+$0x0], $0xffff  }
0xd1: {  	s25 =	sor.u32 $0x10, s25;
	s29 =	simm.s32 $0x80;
	s30 =	simm.s32 $0xA1C0;
	v41 =	vcvt.s32.f32 v11;
	v33 =	vsub.f32 v43, v49;
	v34 =	vsub.f32 v61, v14;
	v22 =	vld.idx.msk [tilespmem:v46+s4+$0x0], $0xffff;
	[tilespmem:s26+$0x30] =	vst v50  }
.LBB2_5:
0xd2: {  	v42 =	vld [tilespmem:s30+$0x30];
	s29 =	sadd.s32 $0x80, s29;
	v24 =	vsub.f32 v24, v39;
	v23 =	vsub.f32 v23, v40;
	v27 =	vmul.f32 v4, v27;
	v4 =	vmovc v36  }
0xd3: {  	v35 =	vsub.f32 v35, v30;
	v21 =	vsub.f32 v21, v41;
	v26 =	vmul.f32 v3, v26;
	v36 =	vld [tilespmem:s30+$0xFFFFFFD0];
	p0 =	slt.u32 s29, $0x1F80;
	v3 =	vmovc v37  }
0xd4: {  	v5 =	vmul.f32 v5, v25;
	v25 =	vmul.f32 v2, v28;
	v37 =	vld [tilespmem:s30+$0xFFFFFFE0];
	v8 =	vadd.f32 v27, v8;
	v2 =	vmovc v24  }
0xd5: {  	v27 =	vmul.f32 v38, v35;
	v7 =	vadd.f32 v26, v7;
	v26 =	vmul.f32 v1, v34;
	v1 =	vmovc v23;
	v24 =	vld [tilespmem:s30+$0xFFFFFFF0]  }
0xd6: {  	v28 =	vadd.f32 v5, v6;
	v6 =	vadd.f32 v25, v9;
	v23 =	vld [tilespmem:s30+$0x0];
	[tilespmem:s28+$0xFFFFFFD0] =	vst v8;
	v8 =	vmul.f32 v0, v32  }
0xd7: {  	v27 =	vadd.f32 v27, v30;
	v0 =	vmovc v21;
	v9 =	vld [tilespmem:s30+$0x10];
	v25 =	vand.u32 $0x7FFFFFFF, v42;
	[tilespmem:s28+$0xFFFFFFE0] =	vst v7;
	v7 =	vadd.f32 v26, v14  }
0xd8: {  	v5 =	vmovc v33;
	v14 =	vand.u32 $0x7FFFFFFF, v36;
	v21 =	vld [tilespmem:s30+$0x20];
	v25 =	vmul.f32 $5.120000000e+02, v25;
	[tilespmem:s28+$0xFFFFFFF0] =	vst v28;
	v13 =	vadd.f32 v8, v13  }
0xd9: {  	v26 =	vld [tilespmem:s30+$0xFFFFFFC0];
	v14 =	vmul.f32 $5.120000000e+02, v14;
	v8 =	vand.u32 $0x7FFFFFFF, v37;
	[tilespmem:s26+$0xFFFFFFC0] =	vst v27  }
0xda: {  	v27 =	vmul.f32 $5.120000000e+02, v8;
	v8 =	vand.u32 $0x7FFFFFFF, v24;
	v30 =	vmin.f32 v25, $3.276900000e+04;
	v32 =	vld.idx.msk [tilespmem:v31+s4+$0x0], $0xffff;
	[tilespmem:s28+$0x0] =	vst v6  }
0xdb: {  	v24 =	vmul.f32 $5.120000000e+02, v8;
	v6 =	vand.u32 $0x7FFFFFFF, v23;
	v8 =	vtrunc.f32 v30;
	v33 =	vld.idx.msk [tilespmem:v29+s4+$0x0], $0xffff;
	[tilespmem:s28+$0x10] =	vst v7  }
0xdc: {  	v23 =	vmul.f32 $5.120000000e+02, v6;
	v6 =	vand.u32 $0x7FFFFFFF, v9;
	v29 =	vcvt.f32.s32 v8;
	v8 =	vld.idx.msk [tilespmem:v17+s4+$0x0], $0xffff;
	[tilespmem:s28+$0x20] =	vst v13;
	s28 =	smov.u32 s26  }
0xdd: {  	v36 =	vmin.f32 v14, $3.276900000e+04;
	v13 =	vmul.f32 $5.120000000e+02, v6;
	v6 =	vand.u32 $0x7FFFFFFF, v21;
	v7 =	vld.idx.msk [tilespmem:v16+s4+$0x0], $0xffff  }
0xde: {  	v9 =	vand.u32 $0x7FFFFFFF, v26;
	v14 =	vmul.f32 $5.120000000e+02, v6;
	v16 =	vadd.s32 $0x1, v29;
	v6 =	vld.idx.msk [tilespmem:v15+s4+$0x0], $0xffff  }
0xdf: {  	v37 =	vmin.f32 v27, $3.276900000e+04;
	v42 =	vmin.f32 v24, $3.276900000e+04;
	v15 =	vmul.f32 $5.120000000e+02, v9;
	v9 =	vld.idx.msk [tilespmem:v12+s4+$0x0], $0xffff  }
0xe0: {  	v24 =	vmin.f32 v23, $3.276900000e+04;
	v23 =	vmin.f32 v13, $3.276900000e+04;
	v21 =	vmin.f32 v14, $3.276900000e+04;
	v14 =	vld.idx.msk [tilespmem:v10+s4+$0x0], $0xffff  }
0xe1: {  	v12 =	vtrunc.f32 v37;
	v10 =	vtrunc.f32 v36;
	v38 =	vmin.f32 v15, $3.276900000e+04;
	v13 =	vld.idx.msk [tilespmem:v11+s4+$0x0], $0xffff  }
0xe2: {  	v15 =	vtrunc.f32 v42;
	v27 =	vsub.f32 v18, v8;
	v11 =	vtrunc.f32 v38;
	v41 =	vld.idx.msk [tilespmem:v29+s4+$0x0], $0xffff  }
0xe3: {  	v31 =	vtrunc.f32 v23;
	v18 =	vtrunc.f32 v24;
	v26 =	vsub.f32 v19, v7;
	v34 =	vld.idx.msk [tilespmem:v16+s4+$0x0], $0xffff  }
0xe4: {  	v19 =	vcvt.f32.s32 v11;
	v11 =	vtrunc.f32 v21;
	v25 =	vsub.f32 v20, v6  }
0xe5: {  	v17 =	vcvt.f32.s32 v10;
	v16 =	vcvt.f32.s32 v12;
	v28 =	vsub.f32 v22, v9  }
0xe6: {  	v15 =	vcvt.f32.s32 v15;
	v12 =	vcvt.f32.s32 v18;
	v20 =	vadd.s32 $0x1, v19  }
0xe7: {  	v10 =	vcvt.f32.s32 v31;
	v18 =	vadd.s32 $0x1, v17;
	v22 =	vcvt.s32.f32 v29  }
0xe8: {  	v43 =	vadd.s32 $0x1, v15;
	v11 =	vcvt.f32.s32 v11;
	v39 =	vadd.s32 $0x1, v16  }
0xe9: {  	v44 =	vadd.s32 $0x1, v12;
	v22 =	vsub.f32 v30, v22;
	v34 =	vsub.f32 v34, v41  }
0xea: {  	v31 =	vadd.s32 $0x1, v10;
	v45 =	vcvt.s32.f32 v19;
	v29 =	vadd.s32 $0x1, v11;
	v30 =	vld.idx.msk [tilespmem:v19+s4+$0x0], $0xffff  }
.Ltmp3:
0xeb: {  	v22 =	vmul.f32 v22, v34;
	v34 =	vsub.f32 v32, v14;
	v35 =	vld.idx.msk [tilespmem:v20+s4+$0x0], $0xffff;
	v20 =	vcvt.s32.f32 v17;
	(pc) =	sbr.rel @p0 .LBB2_5-.Ltmp3, $4  }
0xec: {  	v47 =	vcvt.s32.f32 v15;
	v46 =	vcvt.s32.f32 v16;
	v32 =	vsub.f32 v33, v13;
	v18 =	vld.idx.msk [tilespmem:v18+s4+$0x0], $0xffff  }
0xed: {  	v40 =	vcvt.s32.f32 v10;
	v48 =	vadd.f32 v22, v41;
	v19 =	vld.idx.msk [tilespmem:v39+s4+$0x0], $0xffff;
	v39 =	vcvt.s32.f32 v12  }
0xee: {  	s26 =	sadd.s32 $0x80, s26;
	v38 =	vsub.f32 v38, v45;
	v41 =	vcvt.s32.f32 v11;
	v36 =	vsub.f32 v36, v20;
	v20 =	vld.idx.msk [tilespmem:v43+s4+$0x0], $0xffff  }
0xef: {  	s30 =	sadd.s32 $0x80, s30;
	v37 =	vsub.f32 v37, v46;
	v33 =	vsub.f32 v42, v47;
	v22 =	vld.idx.msk [tilespmem:v44+s4+$0x0], $0xffff;
	[tilespmem:s26+$0x30] =	vst v48  }
0xf0: {  	_ =	sdelay $0x3  }
0xf1: {  	v31 =	vld.idx.msk [tilespmem:v31+s4+$0x0], $0xffff  }
0xf2: {  	v29 =	vld.idx.msk [tilespmem:v29+s4+$0x0], $0xffff  }
0xf3: {  	v17 =	vld.idx.msk [tilespmem:v17+s4+$0x0], $0xffff  }
0xf4: {  	v4 =	vmul.f32 v4, v27;
	v16 =	vld.idx.msk [tilespmem:v16+s4+$0x0], $0xffff  }
0xf5: {  	v24 =	vsub.f32 v24, v39;
	v23 =	vsub.f32 v23, v40;
	v3 =	vmul.f32 v3, v26;
	v50 =	vld.idx.msk [tilespmem:v15+s4+$0x0], $0xffff  }
0xf6: {  	v49 =	vsub.f32 v35, v30;
	v5 =	vmul.f32 v5, v25;
	v52 =	vld.idx.msk [tilespmem:v12+s4+$0x0], $0xffff;
	v4 =	vadd.f32 v4, v8  }
0xf7: {  	v21 =	vsub.f32 v21, v41;
	v2 =	vmul.f32 v2, v28;
	v54 =	vld.idx.msk [tilespmem:v10+s4+$0x0], $0xffff;
	v3 =	vadd.f32 v3, v7  }
0xf8: {  	v1 =	vmul.f32 v1, v34;
	v56 =	vld.idx.msk [tilespmem:v11+s4+$0x0], $0xffff;
	v53 =	vadd.f32 v5, v6;
	[tilespmem:s28+$0xFFFFFFD0] =	vst v4  }
0xf9: {  	v0 =	vmul.f32 v0, v32;
	v2 =	vadd.f32 v2, v9;
	[tilespmem:s28+$0xFFFFFFE0] =	vst v3;
	v57 =	vsub.f32 v18, v17  }
0xfa: {  	v51 =	vmul.f32 v38, v49;
	v1 =	vadd.f32 v1, v14;
	[tilespmem:s28+$0xFFFFFFF0] =	vst v53;
	v58 =	vsub.f32 v19, v16  }
0xfb: {  	v0 =	vadd.f32 v0, v13;
	[tilespmem:s28+$0x0] =	vst v2;
	v59 =	vsub.f32 v20, v50;
	v60 =	vmul.f32 v36, v57  }
0xfc: {  	v55 =	vadd.f32 v51, v30;
	[tilespmem:s28+$0x10] =	vst v1;
	v61 =	vsub.f32 v22, v52;
	v4 =	vmul.f32 v37, v58  }
0xfd: {  	[tilespmem:s28+$0x20] =	vst v0;
	v62 =	vsub.f32 v31, v54;
	v6 =	vmul.f32 v33, v59;
	v9 =	vadd.f32 v60, v17  }
0xfe: {  	v63 =	vsub.f32 v29, v56;
	[tilespmem:s26+$0xFFFFFFC0] =	vst v55;
	v2 =	vmul.f32 v24, v61;
	v4 =	vadd.f32 v4, v16  }
0xff: {  	v1 =	vmul.f32 v23, v62;
	v6 =	vadd.f32 v6, v50;
	[tilespmem:s26+$0xFFFFFFD0] =	vst v9  }
0x100: {  	v0 =	vmul.f32 v21, v63;
	v2 =	vadd.f32 v2, v52;
	[tilespmem:s26+$0xFFFFFFE0] =	vst v4  }
.Ltmp4:
0x101: {  	v1 =	vadd.f32 v1, v54;
	[tilespmem:s26+$0xFFFFFFF0] =	vst v6;
	(pc) =	sbr.rel @p1 .LBB2_8-.Ltmp4, $4  }
0x102: {  	v0 =	vadd.f32 v0, v56;
	[tilespmem:s26+$0x0] =	vst v2  }
0x103: {  	s25 =	sadd.s32 s3, s25;
	[tilespmem:s26+$0x10] =	vst v1  }
0x104: {  	s24 =	sadd.s32 s24, s25;
	[tilespmem:s26+$0x20] =	vst v0  }
0x105: {  	[hbm4b:s24+s11] =	stream.strided.scatter [tilespmem:s18], [sflag:$0x4], $0x2000, s12, s11, $0x38;
	[tilespmem:$0x10080] =	vst v63  }
0x106: {  	s23 =	sadd.s32 $0x3, s23  }
.Ltmp5:
0x107: {  	s24 =	sadd.s32 s5, s23;
	s23 =	sshll.u32 s23, $0x4;
	(pc) =	sbr.rel .LBB2_2-.Ltmp5, $4  }
0x108: {  	s24 =	sshll.u32 s24, $0xA;
	s23 =	sand.u32 $0x70, s23  }
0x109: {  	s24 =	sand.u32 $0x7FE000, s24;
	s23 =	sadd.s32 s2, s23  }
0x10a: {  	s22 =	sadd.s32 $0x1, s22;
	s23 =	sadd.s32 s24, s23  }
0x10b: {  	[tilespmem:s14], [sflag:$0x2] =	stream.strided.gather [hbm4b:s23+s11], $0x2000, s12, s11, $0x38;
	[tilespmem:$0x10080] =	vst v63  }
.LBB2_9:
0x10c: {  	_ =	sfence.sel $0x180000  }
0x10d: {  	[bflag:$0x0] =	sbarrier.arrive $0xFFFF  }
0x10e: {  	p0 =	sne.s32 s1, $0x0;
	_ =	strace $0x90000047  }
0x10f: {  	s0 =	sadd.s32 @!p0 $0x100000, s0;
	[bflag:$0x2] =	sbarrier.arrive $0xFFFF  }
0x110: {  	[sflag:s0] =	ssyncadd.tile.s32 @!p0 $0x1;
	_ =	shalt  }
.Lfunc_end2:
_tile_overlayer_lowered:
.L_overlay_start_2:
0x111: {  	(tag) =	ssettag $0x2  }
0x112: {  	s0 =	rddreg [dreg:$0x0];
	s2 =	stileid.u32  }
0x113: {  	s1 =	rddreg [dreg:$0x1];
	p0 =	sne.s32 s2, $0x0  }
0x114: {  	s3 =	rddreg [dreg:$0x2];
	[bflag:$0x3] =	sbarrier.arrive $0xFFFF;
	s2 =	simm.s32 @!p0 $0x1C05  }
0x115: {  	[timem:s3], [sflag:s2] =	dma.local @!p0 [hbm:s0], s1  }
0x116: {  	s0 =	simm.s32 @!p0 $0x5  }
0x117: {  	_ =	swait.ge @!p0 [sflag:s0], s1  }
0x118: {  	s1 =	ssub.s32 @!p0 $0x0, s1;
	[sflag:s0] =	ssyncset.done @!p0 $0x0  }
0x119: {  	[sflag:s0] =	ssyncadd.s32 @!p0 s1  }
0x11a: {  	[bflag:$0x3] =	sbarrier.arrive $0xFFFF  }
0x11b: {  	_ =	shalt  }

</sc_bundles>
